<compile_context>
chip_gen: v7x
topology: tpu7x:2x2x1
jax: 0.10.2.dev20260603
libtpu: 0.0.44.dev20260713+nightly
codegen_flags: <defaults>
</compile_context>

<pallas_src>
import functools
import math

import jax
import jax.numpy as jnp
from jax import lax
from jax.experimental import pallas as pl
from jax.experimental.pallas import tpu as pltpu
from jax.experimental.pallas import tpu_sc as plsc

H, DH, KN = 8, 64, 32
THETA = 10000.0
REL_DIST_CUTOFF = 5000.0
REL_DIST_SCALE = 100.0
EPS = 1e-8
SCALE = DH ** -0.5

R_TOPK = 256
R_ATT = 64
SC_CHUNK = 64



def _qkv_body(x_ref, w_ref, c_ref, q_ref, kvb_ref, c128_ref):
    y = jnp.dot(x_ref[...], w_ref[...], preferred_element_type=jnp.float32)
    q_ref[...] = y[:, :512]
    kb = y[:, 512:1024].astype(jnp.bfloat16).astype(jnp.float32)
    vb = y[:, 1024:].astype(jnp.bfloat16).astype(jnp.float32)
    ku = lax.shift_right_logical(lax.bitcast_convert_type(kb, jnp.uint32),
                                 jnp.uint32(16))
    vu = lax.bitcast_convert_type(vb, jnp.uint32) & jnp.uint32(0xFFFF0000)
    kvb_ref[...] = lax.bitcast_convert_type(ku | vu, jnp.int32)
    c128_ref[...] = jnp.pad(c_ref[...], ((0, 0), (0, 112)))


def _qkv(x, w, c16):
    bn, d = x.shape
    r = 256
    return pl.pallas_call(
        _qkv_body,
        grid=(bn // r,),
        in_specs=[
            pl.BlockSpec((r, d), lambda i: (i, 0)),
            pl.BlockSpec((d, 3 * 512), lambda i: (0, 0)),
            pl.BlockSpec((r, 16), lambda i: (i, 0)),
        ],
        out_specs=[
            pl.BlockSpec((r, 512), lambda i: (i, 0)),
            pl.BlockSpec((r, 512), lambda i: (i, 0)),
            pl.BlockSpec((r, 128), lambda i: (i, 0)),
        ],
        out_shape=[
            jax.ShapeDtypeStruct((bn, 512), jnp.float32),
            jax.ShapeDtypeStruct((bn, 512), jnp.int32),
            jax.ShapeDtypeStruct((bn, 128), jnp.float32),
        ],
    )(x, w, c16)



def _topk_body(n, xi_ref, xt_ref, idx_ref):
    b = pl.program_id(0)
    xi = xi_ref[0]
    xt = xt_ref[0]
    dsq = (xi[:, 0:1] - xt[0:1, :]) ** 2
    dsq += (xi[:, 1:2] - xt[1:2, :]) ** 2
    dsq += (xi[:, 2:3] - xt[2:3, :]) ** 2
    r = xi.shape[0]
    iota = lax.broadcasted_iota(jnp.int32, (r, n), 1)
    big = jnp.int32(n)
    inf = jnp.float32(jnp.inf)
    base = b * n
    for it in range(KN):
        m = jnp.min(dsq, axis=1, keepdims=True)
        tie = dsq == m
        a = jnp.min(jnp.where(tie, iota, big), axis=1, keepdims=True)
        idx_ref[0, :, it:it + 1] = a + base
        dsq = jnp.where(tie, inf, dsq)


def _topk(coors, coors_t):
    b, n, _ = coors.shape
    return pl.pallas_call(
        functools.partial(_topk_body, n),
        grid=(b, n // R_TOPK),
        in_specs=[
            pl.BlockSpec((1, R_TOPK, 3), lambda bi, i: (bi, i, 0)),
            pl.BlockSpec((1, 3, n), lambda bi, i: (bi, 0, 0)),
        ],
        out_specs=pl.BlockSpec((1, R_TOPK, KN), lambda bi, i: (bi, i, 0)),
        out_shape=jax.ShapeDtypeStruct((b, n, KN), jnp.int32),
    )(coors, coors_t)



def _sc_gather(kvb, c128, idx_flat):
    g = idx_flat.shape[0]
    ch = SC_CHUNK
    info = plsc.get_sparse_core_info()
    nw = info.num_cores * info.num_subcores
    per_w = g // nw
    n_chunks = per_w // ch
    mesh = plsc.VectorSubcoreMesh(core_axis_name="c", subcore_axis_name="s")

    @functools.partial(
        pl.kernel,
        mesh=mesh,
        out_type=[
            jax.ShapeDtypeStruct((g, 512), jnp.int32),
            jax.ShapeDtypeStruct((g, 128), jnp.float32),
        ],
        scratch_types=[
            pltpu.VMEM((ch,), jnp.int32),
            pltpu.VMEM((ch,), jnp.int32),
            pltpu.VMEM((ch, 512), jnp.int32),
            pltpu.VMEM((ch, 512), jnp.int32),
            pltpu.VMEM((ch, 128), jnp.float32),
            pltpu.VMEM((ch, 128), jnp.float32),
            pltpu.SemaphoreType.DMA,
            pltpu.SemaphoreType.DMA,
            pltpu.SemaphoreType.DMA,
            pltpu.SemaphoreType.DMA,
        ],
    )
    def k(kvb_hbm, c128_hbm, idx_hbm, kvg_hbm, cg_hbm,
          idx_a, idx_b, kv_a, kv_b, c_a, c_b, semka, semca, semkb, semcb):
        wid = lax.axis_index("s") * info.num_cores + lax.axis_index("c")
        wbase = wid * per_w
        bufs = ((idx_a, kv_a, c_a, semka, semca),
                (idx_b, kv_b, c_b, semkb, semcb))

        def fire(ci, bf):
            idx_v, kv_v, c_v, semk, semc = bf
            off = pl.multiple_of(wbase + ci * ch, ch)
            pltpu.sync_copy(idx_hbm.at[pl.ds(off, ch)], idx_v)
            pltpu.async_copy(kvb_hbm.at[idx_v], kv_v, semk)
            pltpu.async_copy(c128_hbm.at[idx_v], c_v, semc)

        def drain_store(ci, bf):
            idx_v, kv_v, c_v, semk, semc = bf
            off = pl.multiple_of(wbase + ci * ch, ch)
            pltpu.make_async_copy(kvb_hbm.at[pl.ds(0, ch)], kv_v, semk).wait()
            pltpu.make_async_copy(c128_hbm.at[pl.ds(0, ch)], c_v, semc).wait()
            pltpu.sync_copy(kv_v, kvg_hbm.at[pl.ds(off, ch)])
            pltpu.sync_copy(c_v, cg_hbm.at[pl.ds(off, ch)])

        fire(0, bufs[0])

        def body(p, carry):
            e = p * 2
            fire(e + 1, bufs[1])
            drain_store(e, bufs[0])

            @pl.when(e + 2 < n_chunks)
            def _():
                fire(e + 2, bufs[0])

            drain_store(e + 1, bufs[1])
            return carry

        lax.fori_loop(0, n_chunks // 2, body, 0)

    return k(kvb, c128, idx_flat)



def _attn_body(q_ref, kvg_ref, cg_ref, xi_ref, wout_ref, bout_ref,
               cmw1_ref, cmb1_ref, cmw2_ref, cmb2_ref, cgw_ref, cgb_ref,
               cs_ref, cc_ref, out_ref, co_ref):
    r = q_ref.shape[0]
    x = r * KN
    f32 = jnp.float32

    w = lax.bitcast_convert_type(kvg_ref[...], jnp.uint32)
    kg = lax.bitcast_convert_type(
        lax.shift_left(w, jnp.full(w.shape, 16, jnp.uint32)), f32)
    vg = lax.bitcast_convert_type(w & jnp.uint32(0xFFFF0000), f32)
    cg = cg_ref[:, :16]

    xi16 = xi_ref[...]
    xi_rep = jnp.broadcast_to(xi16[:, None, :], (r, KN, 16)).reshape(x, 16)
    rel = xi_rep - cg
    d2 = jnp.sum(rel * rel, axis=1, keepdims=True) + 1e-30
    dist = jnp.sqrt(d2)

    t = jnp.minimum(dist * REL_DIST_SCALE, REL_DIST_CUTOFF)
    pair = lax.broadcasted_iota(jnp.int32, (1, DH), 1) // 2
    inv_f = jnp.exp(pair.astype(f32) * (-math.log(THETA) * 2.0 / DH))
    ang = t * inv_f
    q = lax.round(ang * (1.0 / math.pi),
                  lax.RoundingMethod.TO_NEAREST_EVEN)
    rt = (ang - q * 3.140625) - q * 9.67653589793e-4
    z = rt * rt
    cosp = 1.0 + z * (-0.5 + z * (1.0 / 24 + z * (-1.0 / 720 + z * (
        1.0 / 40320 + z * (-1.0 / 3628800 + z * (1.0 / 479001600))))))
    sinp = rt * (1.0 + z * (-1.0 / 6 + z * (1.0 / 120 + z * (
        -1.0 / 5040 + z * (1.0 / 362880 + z * (-1.0 / 39916800))))))
    sgn = lax.shift_left(q.astype(jnp.int32), jnp.full(ang.shape, 31, jnp.int32))
    c64 = lax.bitcast_convert_type(
        lax.bitcast_convert_type(cosp, jnp.int32) ^ sgn, f32)
    s64 = lax.bitcast_convert_type(
        lax.bitcast_convert_type(sinp, jnp.int32) ^ sgn, f32)
    cosf = jnp.concatenate([c64] * H, axis=1)
    sinf = jnp.concatenate([s64] * H, axis=1)
    kl = jnp.concatenate([kg[:, 1:], kg[:, :1]], axis=1)
    kr = jnp.concatenate([kg[:, 511:], kg[:, :511]], axis=1)
    even = (lax.broadcasted_iota(jnp.int32, (1, 512), 1) % 2) == 0
    krot = jnp.where(even, -kl, kr)
    k_rot = kg * cosf + krot * sinf

    q = q_ref[...]
    q_rep = jnp.broadcast_to(q[:, None, :], (r, KN, 512)).reshape(x, 512)
    ri = lax.broadcasted_iota(jnp.int32, (512, H), 0)
    ci = lax.broadcasted_iota(jnp.int32, (512, H), 1)
    sumblk = (ri // DH == ci).astype(f32)
    qk = jnp.dot(q_rep * k_rot, sumblk, preferred_element_type=f32) * SCALE

    sri = lax.broadcasted_iota(jnp.int32, (r, x), 0)
    sci = lax.broadcasted_iota(jnp.int32, (r, x), 1)
    seg = (sci // KN == sri).astype(f32)

    e = jnp.exp(qk)
    den = jnp.dot(seg, e, preferred_element_type=f32)
    den_rep = jnp.broadcast_to(den[:, None, :], (r, KN, H)).reshape(x, H)
    attn = e / den_rep

    expand = (ri.T // DH == ci.T).astype(f32)
    wexp = jnp.dot(attn, expand, preferred_element_type=f32)
    outt = jnp.dot(seg, wexp * vg, preferred_element_type=f32)
    out_ref[...] = jnp.dot(outt, wout_ref[...], preferred_element_type=f32) + bout_ref[...]

    hin = jnp.dot(qk, cmw1_ref[...], preferred_element_type=f32) + cmb1_ref[...]
    hid = 0.5 * hin * (1.0 + lax.erf(hin * (2.0 ** -0.5)))
    cw = jnp.dot(hid, cmw2_ref[...], preferred_element_type=f32) + cmb2_ref[...]
    gate = jnp.tanh(jnp.dot(qk, cgw_ref[...], preferred_element_type=f32) + cgb_ref[...])
    reln = rel / jnp.maximum(dist, EPS) * cs_ref[0, 0]
    s = jnp.sum(cw * gate * cc_ref[...], axis=1, keepdims=True)
    delta = jnp.dot(seg, s * reln, preferred_element_type=f32)
    co_ref[...] = xi16[:, :3] + delta[:, :3]


def _attn(q, kvg, cgath, c16, w_out, b_out, cm_w1, cm_b1, cm_w2, cm_b2,
          cg_w, cg_b, cs, cc):
    bn = q.shape[0]
    r = R_ATT
    x = r * KN
    const = lambda shape: pl.BlockSpec(shape, lambda i: tuple(0 for _ in shape))
    return pl.pallas_call(
        _attn_body,
        grid=(bn // r,),
        in_specs=[
            pl.BlockSpec((r, 512), lambda i: (i, 0)),
            pl.BlockSpec((x, 512), lambda i: (i, 0)),
            pl.BlockSpec((x, 128), lambda i: (i, 0)),
            pl.BlockSpec((r, 16), lambda i: (i, 0)),
            const((512, 512)),
            const((1, 512)),
            const((H, 16)),
            const((1, 16)),
            const((16, H)),
            const((1, H)),
            const((H, H)),
            const((1, H)),
            const((1, 1)),
            const((1, H)),
        ],
        out_specs=[
            pl.BlockSpec((r, 512), lambda i: (i, 0)),
            pl.BlockSpec((r, 3), lambda i: (i, 0)),
        ],
        out_shape=[
            jax.ShapeDtypeStruct((bn, 512), jnp.float32),
            jax.ShapeDtypeStruct((bn, 3), jnp.float32),
        ],
    )(q, kvg, cgath, c16, w_out, b_out, cm_w1, cm_b1, cm_w2, cm_b2, cg_w, cg_b, cs, cc)


def kernel(feats, coors, W_qkv, W_out, b_out, cm_W1, cm_b1, cm_W2, cm_b2,
           cg_W, cg_b, coors_scale, coors_combine):
    b, n, d = feats.shape
    bn = b * n

    c16 = jnp.pad(coors.reshape(bn, 3), ((0, 0), (0, 13)))
    q, kvb, c128 = _qkv(feats.reshape(bn, d), W_qkv, c16)
    idx = _topk(coors, coors.transpose(0, 2, 1))
    kvg, cgath = _sc_gather(kvb, c128, idx.reshape(bn * KN))
    out, coors_out = _attn(
        q, kvg, cgath, c16, W_out, b_out.reshape(1, 512),
        cm_W1, cm_b1.reshape(1, 16), cm_W2, cm_b2.reshape(1, H),
        cg_W, cg_b.reshape(1, H), coors_scale.reshape(1, 1),
        coors_combine.reshape(1, H))
    return out.reshape(b, n, d), coors_out.reshape(b, n, 3)

# --- scband reference (transcript-rebuilt; emitter-appended) ---
"""Pipeline reference for scband-equivariant-attention-66056597012501 (READ-ONLY COPY).

The authoritative reference and input builder live on the scoring server;
editing this copy changes nothing except your own understanding.
"""

import jax, jax.numpy as jnp
import numpy as np

B, N, DIM = 2, 2048, 512
HEADS, DIM_HEAD = 8, 64
NEIGHBORS = 32
COORS_HIDDEN = 16
THETA = 10000.0
REL_DIST_CUTOFF = 5000.0
REL_DIST_SCALE = 100.0
INIT_EPS = 1e-3
EPS = 1e-8


def setup_inputs(seed: int = 0) -> dict:
    key = jax.random.key(seed)
    ks = jax.random.split(key, 12)
    inner = HEADS * DIM_HEAD
    return {
        "feats": jax.random.normal(ks[0], (B, N, DIM), dtype=jnp.float32),
        "coors": jax.random.normal(ks[1], (B, N, 3), dtype=jnp.float32),
        "W_qkv": jax.random.normal(ks[2], (DIM, inner * 3), dtype=jnp.float32) * INIT_EPS,
        "W_out": jax.random.normal(ks[3], (inner, DIM), dtype=jnp.float32) * INIT_EPS,
        "b_out": jnp.zeros((DIM,), dtype=jnp.float32),
        "cm_W1": jax.random.normal(ks[4], (HEADS, COORS_HIDDEN), dtype=jnp.float32) * INIT_EPS,
        "cm_b1": jnp.zeros((COORS_HIDDEN,), dtype=jnp.float32),
        "cm_W2": jax.random.normal(ks[5], (COORS_HIDDEN, HEADS), dtype=jnp.float32) * INIT_EPS,
        "cm_b2": jnp.zeros((HEADS,), dtype=jnp.float32),
        "cg_W": jax.random.normal(ks[6], (HEADS, HEADS), dtype=jnp.float32) * INIT_EPS,
        "cg_b": jnp.zeros((HEADS,), dtype=jnp.float32),
        "coors_scale": jnp.ones((1,), dtype=jnp.float32),
        "coors_combine": jax.random.normal(ks[7], (HEADS,), dtype=jnp.float32),
    }


def rotate_half(x):
    x = x.reshape(x.shape[:-1] + (-1, 2))
    x1, x2 = x[..., 0], x[..., 1]
    x = jnp.stack((-x2, x1), axis=-1)
    return x.reshape(x.shape[:-2] + (-1,))


def _forward(feats, coors, W_qkv, W_out, b_out, cm_W1, cm_b1, cm_W2, cm_b2, cg_W, cg_b, coors_scale, coors_combine):
    b, n, d = feats.shape
    h, dh, kn = HEADS, DIM_HEAD, NEIGHBORS
    scale = dh ** -0.5

    # relative coordinates / distances (b, n, n, 3), (b, n, n)
    rel_coors = coors[:, :, None, :] - coors[:, None, :, :]
    rel_dist = jnp.sqrt(jnp.sum(rel_coors ** 2, axis=-1) + 1e-30)

    # nearest-neighbor selection (topk smallest distance) -> sparse attention pattern
    _, nbhd_indices = jax.lax.top_k(-rel_dist, kn)  # (b, n, kn)

    # qkv projections
    qkv = feats @ W_qkv
    q, k, v = jnp.split(qkv, 3, axis=-1)
    split_heads = lambda t: t.reshape(b, n, h, dh).transpose(0, 2, 1, 3)  # b h n dh
    q, k, v = split_heads(q), split_heads(k), split_heads(v)

    # gather neighbor keys/values: batched_index_select along node dim
    gather = jax.vmap(lambda t, idx: t[:, idx])  # (h,n,dh),(n,kn)->(h,n,kn,dh)
    k_g = gather(k, nbhd_indices)
    v_g = gather(v, nbhd_indices)
    rel_dist_g = jnp.take_along_axis(rel_dist, nbhd_indices, axis=2)  # (b,n,kn)
    idx3 = jnp.broadcast_to(nbhd_indices[..., None], nbhd_indices.shape + (3,))
    rel_coors_g = jnp.take_along_axis(rel_coors, idx3, axis=2)  # (b,n,kn,3)

    # rotary embedding of relative distances applied to keys (SinusoidalEmbeddings)
    inv_freq = 1.0 / (THETA ** (jnp.arange(0, dh, 2, dtype=jnp.float32) / dh))
    t = jnp.minimum(rel_dist_g * REL_DIST_SCALE, REL_DIST_CUTOFF)
    freqs = jnp.repeat(t[..., None] * inv_freq, 2, axis=-1)  # (b,n,kn,dh)
    fcos = jnp.cos(freqs)[:, None]
    fsin = jnp.sin(freqs)[:, None]
    k_g = k_g * fcos + rotate_half(k_g) * fsin  # queries at position 0 -> identity

    # attention logits
    qk = jnp.einsum('bhid,bhijd->bhij', q, k_g) * scale

    # coordinate branch
    cm_in = qk.transpose(0, 2, 3, 1)  # b i j h
    hid = jax.nn.gelu(cm_in @ cm_W1 + cm_b1, approximate=False)
    coor_weights = hid @ cm_W2 + cm_b2  # b i j h
    gate = jnp.tanh(cm_in @ cg_W + cg_b)  # b i j h (coors_gate)
    norm = jnp.sqrt(jnp.sum(rel_coors_g ** 2, axis=-1, keepdims=True) + 1e-30)
    rel_coors_n = rel_coors_g / jnp.maximum(norm, EPS) * coors_scale  # CoorsNorm
    rel_coors_h = rel_coors_n[..., None] * gate[..., None, :]  # b i j 3 h
    coors_agg = jnp.einsum('bijh,bijch->bich', coor_weights, rel_coors_h)
    coors_out = coors + jnp.einsum('bich,h->bic', coors_agg, coors_combine)

    # feature attention
    attn = jax.nn.softmax(qk, axis=-1)
    out = jnp.einsum('bhij,bhijd->bhid', attn, v_g)
    out = out.transpose(0, 2, 1, 3).reshape(b, n, h * dh)
    out = out @ W_out + b_out
    return out, coors_out


def reference(feats, coors, W_qkv, W_out, b_out, cm_W1, cm_b1, cm_W2, cm_b2, cg_W, cg_b, coors_scale, coors_combine):
    return _forward(feats, coors, W_qkv, W_out, b_out, cm_W1, cm_b1, cm_W2, cm_b2, cg_W, cg_b, coors_scale, coors_combine)

if __name__ == "__main__":
    import jax
    _d = setup_inputs()
    print(jax.jit(kernel)(*tuple(_d.values())))

</pallas_src>

<mosaic_0001>
#map = affine_map<(d0, d1) -> (0, 0)>
#map1 = affine_map<(d0, d1) -> (0)>
module attributes {stable_mosaic.version = 14 : i64} {
  func.func @k(%arg0: i32, %arg1: i32, %arg2: memref<4096x512xi32, #tpu.memory_space<hbm>>, %arg3: memref<4096x128xf32, #tpu.memory_space<hbm>>, %arg4: memref<131072xi32, #tpu.memory_space<hbm>>, %arg5: memref<131072x512xi32, #tpu.memory_space<hbm>>, %arg6: memref<131072x128xf32, #tpu.memory_space<hbm>>, %arg7: memref<64xi32, #tpu.memory_space<vmem>>, %arg8: memref<64xi32, #tpu.memory_space<vmem>>, %arg9: memref<64x512xi32, #tpu.memory_space<vmem>>, %arg10: memref<64x512xi32, #tpu.memory_space<vmem>>, %arg11: memref<64x128xf32, #tpu.memory_space<vmem>>, %arg12: memref<64x128xf32, #tpu.memory_space<vmem>>, %arg13: memref<!tpu.dma_semaphore, #tpu.memory_space<semaphore_mem>>, %arg14: memref<!tpu.dma_semaphore, #tpu.memory_space<semaphore_mem>>, %arg15: memref<!tpu.dma_semaphore, #tpu.memory_space<semaphore_mem>>, %arg16: memref<!tpu.dma_semaphore, #tpu.memory_space<semaphore_mem>>) attributes {dimension_semantics = [#tpu.dimension_semantics<core_parallel>, #tpu.dimension_semantics<subcore_parallel>], iteration_bounds = array<i64: 2, 16>, scalar_prefetch = 0 : i64, scratch_operands = 10 : i64, tpu.core_type = #tpu.core_type<sc_vector_subcore>, window_params = [{transform_indices = #map}, {transform_indices = #map}, {transform_indices = #map1}, {transform_indices = #map}, {transform_indices = #map}]} {
    %mul3A = arith.constant 2 : i32
    %mul3A_0 = arith.muli %arg1, %mul3A : i32
    %add3A = arith.addi %mul3A_0, %arg0 : i32
    %mul3A_1 = arith.constant 4096 : i32
    %mul3A_2 = arith.muli %add3A, %mul3A_1 : i32
    %add3A_3 = arith.constant 0 : i32
    %add3A_4 = arith.addi %mul3A_2, %add3A_3 : i32
    %multiple_of3A = tpu.assume_multiple %add3A_4, 64 : i32
    "tpu.region"() ({
      %run_scoped3A = tpu.sem_alloc : memref<!tpu.dma_semaphore, #tpu.memory_space<semaphore_mem>>
      %dma_start3A_15 = tpu.memref_slice %arg4[%multiple_of3A] : memref<131072xi32, #tpu.memory_space<hbm>> -> memref<64xi32, #tpu.memory_space<hbm>>
      %dma_start3A_16 = tpu.memref_slice %arg4[%multiple_of3A] : memref<131072xi32, #tpu.memory_space<hbm>> -> memref<64xi32, #tpu.memory_space<hbm>>
      tpu.enqueue_dma source(%dma_start3A_16 : memref<64xi32, #tpu.memory_space<hbm>>) target(%arg7 : memref<64xi32, #tpu.memory_space<vmem>>) target_semaphore(%run_scoped3A : memref<!tpu.dma_semaphore, #tpu.memory_space<semaphore_mem>>)
      %dma_wait3A = tpu.memref_slice %arg4[%multiple_of3A] : memref<131072xi32, #tpu.memory_space<hbm>> -> memref<64xi32, #tpu.memory_space<hbm>>
      %dma_wait3A_17 = tpu.memref_slice %arg4[%multiple_of3A] : memref<131072xi32, #tpu.memory_space<hbm>> -> memref<64xi32, #tpu.memory_space<hbm>>
      tpu.wait_dma2 semaphore(%run_scoped3A : memref<!tpu.dma_semaphore, #tpu.memory_space<semaphore_mem>>) src(%dma_wait3A_17 : memref<64xi32, #tpu.memory_space<hbm>>) dst(%arg7 : memref<64xi32, #tpu.memory_space<vmem>>)
      tpu.yield
    }) : () -> ()
    %dma_start3A = arith.constant 0 : i32
    %dma_start3A_5 = arith.constant 0 : i32
    %dma_start3A_6 = tpu.memref_slice %arg2[%dma_start3A, %dma_start3A_5] : memref<4096x512xi32, #tpu.memory_space<hbm>> -> memref<4096x512xi32, #tpu.memory_space<hbm>>
    tpu.enqueue_indirect_dma source(%dma_start3A_6 : memref<4096x512xi32, #tpu.memory_space<hbm>>) target(%arg9 : memref<64x512xi32, #tpu.memory_space<vmem>>) offsets(%arg7 : memref<64xi32, #tpu.memory_space<vmem>>) semaphore(%arg13 : memref<!tpu.dma_semaphore, #tpu.memory_space<semaphore_mem>>)
    %dma_start3A_7 = arith.constant 0 : i32
    %dma_start3A_8 = arith.constant 0 : i32
    %dma_start3A_9 = tpu.memref_slice %arg3[%dma_start3A_7, %dma_start3A_8] : memref<4096x128xf32, #tpu.memory_space<hbm>> -> memref<4096x128xf32, #tpu.memory_space<hbm>>
    tpu.enqueue_indirect_dma source(%dma_start3A_9 : memref<4096x128xf32, #tpu.memory_space<hbm>>) target(%arg11 : memref<64x128xf32, #tpu.memory_space<vmem>>) offsets(%arg7 : memref<64xi32, #tpu.memory_space<vmem>>) semaphore(%arg14 : memref<!tpu.dma_semaphore, #tpu.memory_space<semaphore_mem>>)
    %scan3A = arith.constant 0 : i32
    %scan3A_10 = arith.constant 0 : i32
    %scan3A_11 = arith.constant 32 : i32
    %scan3A_12 = arith.addi %scan3A_10, %scan3A_11 : i32
    %scan3A_13 = arith.constant 1 : i32
    scf.for %scan3A_15 = %scan3A_10 to %scan3A_12 step %scan3A_13  : i32 {
      %mul3A_16 = arith.constant 2 : i32
      %mul3A_17 = arith.muli %scan3A_15, %mul3A_16 : i32
      %add3A_18 = arith.constant 1 : i32
      %add3A_19 = arith.addi %mul3A_17, %add3A_18 : i32
      %mul3A_20 = arith.constant 64 : i32
      %mul3A_21 = arith.muli %add3A_19, %mul3A_20 : i32
      %add3A_22 = arith.addi %mul3A_2, %mul3A_21 : i32
      %multiple_of3A_23 = tpu.assume_multiple %add3A_22, 64 : i32
      "tpu.region"() ({
        %run_scoped3A = tpu.sem_alloc : memref<!tpu.dma_semaphore, #tpu.memory_space<semaphore_mem>>
        %dma_start3A_67 = tpu.memref_slice %arg4[%multiple_of3A_23] : memref<131072xi32, #tpu.memory_space<hbm>> -> memref<64xi32, #tpu.memory_space<hbm>>
        %dma_start3A_68 = tpu.memref_slice %arg4[%multiple_of3A_23] : memref<131072xi32, #tpu.memory_space<hbm>> -> memref<64xi32, #tpu.memory_space<hbm>>
        tpu.enqueue_dma source(%dma_start3A_68 : memref<64xi32, #tpu.memory_space<hbm>>) target(%arg8 : memref<64xi32, #tpu.memory_space<vmem>>) target_semaphore(%run_scoped3A : memref<!tpu.dma_semaphore, #tpu.memory_space<semaphore_mem>>)
        %dma_wait3A_69 = tpu.memref_slice %arg4[%multiple_of3A_23] : memref<131072xi32, #tpu.memory_space<hbm>> -> memref<64xi32, #tpu.memory_space<hbm>>
        %dma_wait3A_70 = tpu.memref_slice %arg4[%multiple_of3A_23] : memref<131072xi32, #tpu.memory_space<hbm>> -> memref<64xi32, #tpu.memory_space<hbm>>
        tpu.wait_dma2 semaphore(%run_scoped3A : memref<!tpu.dma_semaphore, #tpu.memory_space<semaphore_mem>>) src(%dma_wait3A_70 : memref<64xi32, #tpu.memory_space<hbm>>) dst(%arg8 : memref<64xi32, #tpu.memory_space<vmem>>)
        tpu.yield
      }) : () -> ()
      %dma_start3A_24 = arith.constant 0 : i32
      %dma_start3A_25 = arith.constant 0 : i32
      %dma_start3A_26 = tpu.memref_slice %arg2[%dma_start3A_24, %dma_start3A_25] : memref<4096x512xi32, #tpu.memory_space<hbm>> -> memref<4096x512xi32, #tpu.memory_space<hbm>>
      tpu.enqueue_indirect_dma source(%dma_start3A_26 : memref<4096x512xi32, #tpu.memory_space<hbm>>) target(%arg10 : memref<64x512xi32, #tpu.memory_space<vmem>>) offsets(%arg8 : memref<64xi32, #tpu.memory_space<vmem>>) semaphore(%arg15 : memref<!tpu.dma_semaphore, #tpu.memory_space<semaphore_mem>>)
      %dma_start3A_27 = arith.constant 0 : i32
      %dma_start3A_28 = arith.constant 0 : i32
      %dma_start3A_29 = tpu.memref_slice %arg3[%dma_start3A_27, %dma_start3A_28] : memref<4096x128xf32, #tpu.memory_space<hbm>> -> memref<4096x128xf32, #tpu.memory_space<hbm>>
      tpu.enqueue_indirect_dma source(%dma_start3A_29 : memref<4096x128xf32, #tpu.memory_space<hbm>>) target(%arg12 : memref<64x128xf32, #tpu.memory_space<vmem>>) offsets(%arg8 : memref<64xi32, #tpu.memory_space<vmem>>) semaphore(%arg16 : memref<!tpu.dma_semaphore, #tpu.memory_space<semaphore_mem>>)
      %mul3A_30 = arith.constant 64 : i32
      %mul3A_31 = arith.muli %mul3A_17, %mul3A_30 : i32
      %add3A_32 = arith.addi %mul3A_2, %mul3A_31 : i32
      %multiple_of3A_33 = tpu.assume_multiple %add3A_32, 64 : i32
      %dma_wait3A = arith.constant 0 : i32
      %dma_wait3A_34 = arith.constant 0 : i32
      %dma_wait3A_35 = tpu.memref_slice %arg2[%dma_wait3A, %dma_wait3A_34] : memref<4096x512xi32, #tpu.memory_space<hbm>> -> memref<64x512xi32, #tpu.memory_space<hbm>>
      %dma_wait3A_36 = arith.constant 0 : i32
      %dma_wait3A_37 = arith.constant 0 : i32
      %dma_wait3A_38 = tpu.memref_slice %arg2[%dma_wait3A_36, %dma_wait3A_37] : memref<4096x512xi32, #tpu.memory_space<hbm>> -> memref<64x512xi32, #tpu.memory_space<hbm>>
      tpu.wait_dma2 semaphore(%arg13 : memref<!tpu.dma_semaphore, #tpu.memory_space<semaphore_mem>>) src(%dma_wait3A_38 : memref<64x512xi32, #tpu.memory_space<hbm>>) dst(%arg9 : memref<64x512xi32, #tpu.memory_space<vmem>>)
      %dma_wait3A_39 = arith.constant 0 : i32
      %dma_wait3A_40 = arith.constant 0 : i32
      %dma_wait3A_41 = tpu.memref_slice %arg3[%dma_wait3A_39, %dma_wait3A_40] : memref<4096x128xf32, #tpu.memory_space<hbm>> -> memref<64x128xf32, #tpu.memory_space<hbm>>
      %dma_wait3A_42 = arith.constant 0 : i32
      %dma_wait3A_43 = arith.constant 0 : i32
      %dma_wait3A_44 = tpu.memref_slice %arg3[%dma_wait3A_42, %dma_wait3A_43] : memref<4096x128xf32, #tpu.memory_space<hbm>> -> memref<64x128xf32, #tpu.memory_space<hbm>>
      tpu.wait_dma2 semaphore(%arg14 : memref<!tpu.dma_semaphore, #tpu.memory_space<semaphore_mem>>) src(%dma_wait3A_44 : memref<64x128xf32, #tpu.memory_space<hbm>>) dst(%arg11 : memref<64x128xf32, #tpu.memory_space<vmem>>)
      "tpu.region"() ({
        %run_scoped3A = tpu.sem_alloc : memref<!tpu.dma_semaphore, #tpu.memory_space<semaphore_mem>>
        %dma_start3A_67 = arith.constant 0 : i32
        %dma_start3A_68 = tpu.memref_slice %arg5[%multiple_of3A_33, %dma_start3A_67] : memref<131072x512xi32, #tpu.memory_space<hbm>> -> memref<64x512xi32, #tpu.memory_space<hbm>>
        %dma_start3A_69 = arith.constant 0 : i32
        %dma_start3A_70 = tpu.memref_slice %arg5[%multiple_of3A_33, %dma_start3A_69] : memref<131072x512xi32, #tpu.memory_space<hbm>> -> memref<64x512xi32, #tpu.memory_space<hbm>>
        tpu.enqueue_dma source(%arg9 : memref<64x512xi32, #tpu.memory_space<vmem>>) target(%dma_start3A_70 : memref<64x512xi32, #tpu.memory_space<hbm>>) target_semaphore(%run_scoped3A : memref<!tpu.dma_semaphore, #tpu.memory_space<semaphore_mem>>)
        %dma_wait3A_71 = arith.constant 0 : i32
        %dma_wait3A_72 = tpu.memref_slice %arg5[%multiple_of3A_33, %dma_wait3A_71] : memref<131072x512xi32, #tpu.memory_space<hbm>> -> memref<64x512xi32, #tpu.memory_space<hbm>>
        %dma_wait3A_73 = arith.constant 0 : i32
        %dma_wait3A_74 = tpu.memref_slice %arg5[%multiple_of3A_33, %dma_wait3A_73] : memref<131072x512xi32, #tpu.memory_space<hbm>> -> memref<64x512xi32, #tpu.memory_space<hbm>>
        tpu.wait_dma2 semaphore(%run_scoped3A : memref<!tpu.dma_semaphore, #tpu.memory_space<semaphore_mem>>) src(%arg9 : memref<64x512xi32, #tpu.memory_space<vmem>>) dst(%dma_wait3A_74 : memref<64x512xi32, #tpu.memory_space<hbm>>)
        tpu.yield
      }) : () -> ()
      "tpu.region"() ({
        %run_scoped3A = tpu.sem_alloc : memref<!tpu.dma_semaphore, #tpu.memory_space<semaphore_mem>>
        %dma_start3A_67 = arith.constant 0 : i32
        %dma_start3A_68 = tpu.memref_slice %arg6[%multiple_of3A_33, %dma_start3A_67] : memref<131072x128xf32, #tpu.memory_space<hbm>> -> memref<64x128xf32, #tpu.memory_space<hbm>>
        %dma_start3A_69 = arith.constant 0 : i32
        %dma_start3A_70 = tpu.memref_slice %arg6[%multiple_of3A_33, %dma_start3A_69] : memref<131072x128xf32, #tpu.memory_space<hbm>> -> memref<64x128xf32, #tpu.memory_space<hbm>>
        tpu.enqueue_dma source(%arg11 : memref<64x128xf32, #tpu.memory_space<vmem>>) target(%dma_start3A_70 : memref<64x128xf32, #tpu.memory_space<hbm>>) target_semaphore(%run_scoped3A : memref<!tpu.dma_semaphore, #tpu.memory_space<semaphore_mem>>)
        %dma_wait3A_71 = arith.constant 0 : i32
        %dma_wait3A_72 = tpu.memref_slice %arg6[%multiple_of3A_33, %dma_wait3A_71] : memref<131072x128xf32, #tpu.memory_space<hbm>> -> memref<64x128xf32, #tpu.memory_space<hbm>>
        %dma_wait3A_73 = arith.constant 0 : i32
        %dma_wait3A_74 = tpu.memref_slice %arg6[%multiple_of3A_33, %dma_wait3A_73] : memref<131072x128xf32, #tpu.memory_space<hbm>> -> memref<64x128xf32, #tpu.memory_space<hbm>>
        tpu.wait_dma2 semaphore(%run_scoped3A : memref<!tpu.dma_semaphore, #tpu.memory_space<semaphore_mem>>) src(%arg11 : memref<64x128xf32, #tpu.memory_space<vmem>>) dst(%dma_wait3A_74 : memref<64x128xf32, #tpu.memory_space<hbm>>)
        tpu.yield
      }) : () -> ()
      %add3A_45 = arith.constant 2 : i32
      %add3A_46 = arith.addi %mul3A_17, %add3A_45 : i32
      %lt3A = arith.constant 64 : i32
      %lt3A_47 = arith.cmpi slt, %add3A_46, %lt3A : i32
      %convert_element_type3A = arith.extui %lt3A_47 : i1 to i32
      %cond3A = arith.constant 0 : i32
      %cond3A_48 = arith.cmpi ne, %convert_element_type3A, %cond3A : i32
      scf.if %cond3A_48 {
        %add3A_67 = arith.constant 2 : i32
        %add3A_68 = arith.addi %mul3A_17, %add3A_67 : i32
        %mul3A_69 = arith.constant 64 : i32
        %mul3A_70 = arith.muli %add3A_68, %mul3A_69 : i32
        %add3A_71 = arith.addi %mul3A_2, %mul3A_70 : i32
        %multiple_of3A_72 = tpu.assume_multiple %add3A_71, 64 : i32
        "tpu.region"() ({
          %run_scoped3A = tpu.sem_alloc : memref<!tpu.dma_semaphore, #tpu.memory_space<semaphore_mem>>
          %dma_start3A_79 = tpu.memref_slice %arg4[%multiple_of3A_72] : memref<131072xi32, #tpu.memory_space<hbm>> -> memref<64xi32, #tpu.memory_space<hbm>>
          %dma_start3A_80 = tpu.memref_slice %arg4[%multiple_of3A_72] : memref<131072xi32, #tpu.memory_space<hbm>> -> memref<64xi32, #tpu.memory_space<hbm>>
          tpu.enqueue_dma source(%dma_start3A_80 : memref<64xi32, #tpu.memory_space<hbm>>) target(%arg7 : memref<64xi32, #tpu.memory_space<vmem>>) target_semaphore(%run_scoped3A : memref<!tpu.dma_semaphore, #tpu.memory_space<semaphore_mem>>)
          %dma_wait3A_81 = tpu.memref_slice %arg4[%multiple_of3A_72] : memref<131072xi32, #tpu.memory_space<hbm>> -> memref<64xi32, #tpu.memory_space<hbm>>
          %dma_wait3A_82 = tpu.memref_slice %arg4[%multiple_of3A_72] : memref<131072xi32, #tpu.memory_space<hbm>> -> memref<64xi32, #tpu.memory_space<hbm>>
          tpu.wait_dma2 semaphore(%run_scoped3A : memref<!tpu.dma_semaphore, #tpu.memory_space<semaphore_mem>>) src(%dma_wait3A_82 : memref<64xi32, #tpu.memory_space<hbm>>) dst(%arg7 : memref<64xi32, #tpu.memory_space<vmem>>)
          tpu.yield
        }) : () -> ()
        %dma_start3A_73 = arith.constant 0 : i32
        %dma_start3A_74 = arith.constant 0 : i32
        %dma_start3A_75 = tpu.memref_slice %arg2[%dma_start3A_73, %dma_start3A_74] : memref<4096x512xi32, #tpu.memory_space<hbm>> -> memref<4096x512xi32, #tpu.memory_space<hbm>>
        tpu.enqueue_indirect_dma source(%dma_start3A_75 : memref<4096x512xi32, #tpu.memory_space<hbm>>) target(%arg9 : memref<64x512xi32, #tpu.memory_space<vmem>>) offsets(%arg7 : memref<64xi32, #tpu.memory_space<vmem>>) semaphore(%arg13 : memref<!tpu.dma_semaphore, #tpu.memory_space<semaphore_mem>>)
        %dma_start3A_76 = arith.constant 0 : i32
        %dma_start3A_77 = arith.constant 0 : i32
        %dma_start3A_78 = tpu.memref_slice %arg3[%dma_start3A_76, %dma_start3A_77] : memref<4096x128xf32, #tpu.memory_space<hbm>> -> memref<4096x128xf32, #tpu.memory_space<hbm>>
        tpu.enqueue_indirect_dma source(%dma_start3A_78 : memref<4096x128xf32, #tpu.memory_space<hbm>>) target(%arg11 : memref<64x128xf32, #tpu.memory_space<vmem>>) offsets(%arg7 : memref<64xi32, #tpu.memory_space<vmem>>) semaphore(%arg14 : memref<!tpu.dma_semaphore, #tpu.memory_space<semaphore_mem>>)
      } else {
      }
      %add3A_49 = arith.constant 1 : i32
      %add3A_50 = arith.addi %mul3A_17, %add3A_49 : i32
      %mul3A_51 = arith.constant 64 : i32
      %mul3A_52 = arith.muli %add3A_50, %mul3A_51 : i32
      %add3A_53 = arith.addi %mul3A_2, %mul3A_52 : i32
      %multiple_of3A_54 = tpu.assume_multiple %add3A_53, 64 : i32
      %dma_wait3A_55 = arith.constant 0 : i32
      %dma_wait3A_56 = arith.constant 0 : i32
      %dma_wait3A_57 = tpu.memref_slice %arg2[%dma_wait3A_55, %dma_wait3A_56] : memref<4096x512xi32, #tpu.memory_space<hbm>> -> memref<64x512xi32, #tpu.memory_space<hbm>>
      %dma_wait3A_58 = arith.constant 0 : i32
      %dma_wait3A_59 = arith.constant 0 : i32
      %dma_wait3A_60 = tpu.memref_slice %arg2[%dma_wait3A_58, %dma_wait3A_59] : memref<4096x512xi32, #tpu.memory_space<hbm>> -> memref<64x512xi32, #tpu.memory_space<hbm>>
      tpu.wait_dma2 semaphore(%arg15 : memref<!tpu.dma_semaphore, #tpu.memory_space<semaphore_mem>>) src(%dma_wait3A_60 : memref<64x512xi32, #tpu.memory_space<hbm>>) dst(%arg10 : memref<64x512xi32, #tpu.memory_space<vmem>>)
      %dma_wait3A_61 = arith.constant 0 : i32
      %dma_wait3A_62 = arith.constant 0 : i32
      %dma_wait3A_63 = tpu.memref_slice %arg3[%dma_wait3A_61, %dma_wait3A_62] : memref<4096x128xf32, #tpu.memory_space<hbm>> -> memref<64x128xf32, #tpu.memory_space<hbm>>
      %dma_wait3A_64 = arith.constant 0 : i32
      %dma_wait3A_65 = arith.constant 0 : i32
      %dma_wait3A_66 = tpu.memref_slice %arg3[%dma_wait3A_64, %dma_wait3A_65] : memref<4096x128xf32, #tpu.memory_space<hbm>> -> memref<64x128xf32, #tpu.memory_space<hbm>>
      tpu.wait_dma2 semaphore(%arg16 : memref<!tpu.dma_semaphore, #tpu.memory_space<semaphore_mem>>) src(%dma_wait3A_66 : memref<64x128xf32, #tpu.memory_space<hbm>>) dst(%arg12 : memref<64x128xf32, #tpu.memory_space<vmem>>)
      "tpu.region"() ({
        %run_scoped3A = tpu.sem_alloc : memref<!tpu.dma_semaphore, #tpu.memory_space<semaphore_mem>>
        %dma_start3A_67 = arith.constant 0 : i32
        %dma_start3A_68 = tpu.memref_slice %arg5[%multiple_of3A_54, %dma_start3A_67] : memref<131072x512xi32, #tpu.memory_space<hbm>> -> memref<64x512xi32, #tpu.memory_space<hbm>>
        %dma_start3A_69 = arith.constant 0 : i32
        %dma_start3A_70 = tpu.memref_slice %arg5[%multiple_of3A_54, %dma_start3A_69] : memref<131072x512xi32, #tpu.memory_space<hbm>> -> memref<64x512xi32, #tpu.memory_space<hbm>>
        tpu.enqueue_dma source(%arg10 : memref<64x512xi32, #tpu.memory_space<vmem>>) target(%dma_start3A_70 : memref<64x512xi32, #tpu.memory_space<hbm>>) target_semaphore(%run_scoped3A : memref<!tpu.dma_semaphore, #tpu.memory_space<semaphore_mem>>)
        %dma_wait3A_71 = arith.constant 0 : i32
        %dma_wait3A_72 = tpu.memref_slice %arg5[%multiple_of3A_54, %dma_wait3A_71] : memref<131072x512xi32, #tpu.memory_space<hbm>> -> memref<64x512xi32, #tpu.memory_space<hbm>>
        %dma_wait3A_73 = arith.constant 0 : i32
        %dma_wait3A_74 = tpu.memref_slice %arg5[%multiple_of3A_54, %dma_wait3A_73] : memref<131072x512xi32, #tpu.memory_space<hbm>> -> memref<64x512xi32, #tpu.memory_space<hbm>>
        tpu.wait_dma2 semaphore(%run_scoped3A : memref<!tpu.dma_semaphore, #tpu.memory_space<semaphore_mem>>) src(%arg10 : memref<64x512xi32, #tpu.memory_space<vmem>>) dst(%dma_wait3A_74 : memref<64x512xi32, #tpu.memory_space<hbm>>)
        tpu.yield
      }) : () -> ()
      "tpu.region"() ({
        %run_scoped3A = tpu.sem_alloc : memref<!tpu.dma_semaphore, #tpu.memory_space<semaphore_mem>>
        %dma_start3A_67 = arith.constant 0 : i32
        %dma_start3A_68 = tpu.memref_slice %arg6[%multiple_of3A_54, %dma_start3A_67] : memref<131072x128xf32, #tpu.memory_space<hbm>> -> memref<64x128xf32, #tpu.memory_space<hbm>>
        %dma_start3A_69 = arith.constant 0 : i32
        %dma_start3A_70 = tpu.memref_slice %arg6[%multiple_of3A_54, %dma_start3A_69] : memref<131072x128xf32, #tpu.memory_space<hbm>> -> memref<64x128xf32, #tpu.memory_space<hbm>>
        tpu.enqueue_dma source(%arg12 : memref<64x128xf32, #tpu.memory_space<vmem>>) target(%dma_start3A_70 : memref<64x128xf32, #tpu.memory_space<hbm>>) target_semaphore(%run_scoped3A : memref<!tpu.dma_semaphore, #tpu.memory_space<semaphore_mem>>)
        %dma_wait3A_71 = arith.constant 0 : i32
        %dma_wait3A_72 = tpu.memref_slice %arg6[%multiple_of3A_54, %dma_wait3A_71] : memref<131072x128xf32, #tpu.memory_space<hbm>> -> memref<64x128xf32, #tpu.memory_space<hbm>>
        %dma_wait3A_73 = arith.constant 0 : i32
        %dma_wait3A_74 = tpu.memref_slice %arg6[%multiple_of3A_54, %dma_wait3A_73] : memref<131072x128xf32, #tpu.memory_space<hbm>> -> memref<64x128xf32, #tpu.memory_space<hbm>>
        tpu.wait_dma2 semaphore(%run_scoped3A : memref<!tpu.dma_semaphore, #tpu.memory_space<semaphore_mem>>) src(%arg12 : memref<64x128xf32, #tpu.memory_space<vmem>>) dst(%dma_wait3A_74 : memref<64x128xf32, #tpu.memory_space<hbm>>)
        tpu.yield
      }) : () -> ()
    }
    %scan3A_14 = arith.constant 32 : i32
    return
  }
}

module attributes {stable_mosaic.version = 14 : i64} {
  func.func @_topk_body(%arg0: i32, %arg1: i32, %arg2: memref<1x256x3xf32, #tpu.memory_space<vmem>>, %arg3: memref<1x3x2048xf32, #tpu.memory_space<vmem>>, %arg4: memref<1x256x32xi32, #tpu.memory_space<vmem>>) attributes {dimension_semantics = [#tpu.dimension_semantics<arbitrary>, #tpu.dimension_semantics<arbitrary>], iteration_bounds = array<i64: 2, 8>, scalar_prefetch = 0 : i64, scratch_operands = 0 : i64, tpu.core_type = #tpu.core_type<tc>, window_params = [{transform_indices = @transform_0, window_bounds = array<i64: 1, 256, 3>}, {transform_indices = @transform_1, window_bounds = array<i64: 1, 3, 2048>}, {transform_indices = @transform_2, window_bounds = array<i64: 1, 256, 32>}]} {
    %get3A = arith.constant 0 : index
    %get3A_0 = arith.constant 0 : index
    %get3A_1 = arith.constant 0 : index
    %get3A_2 = vector.load %arg2[%get3A, %get3A_0, %get3A_1] : memref<1x256x3xf32, #tpu.memory_space<vmem>>, vector<1x256x3xf32>
    %get3A_3 = vector.shape_cast %get3A_2 : vector<1x256x3xf32> to vector<256x3xf32>
    %get3A_4 = arith.constant 0 : index
    %get3A_5 = arith.constant 0 : index
    %get3A_6 = arith.constant 0 : index
    %get3A_7 = vector.load %arg3[%get3A_4, %get3A_5, %get3A_6] : memref<1x3x2048xf32, #tpu.memory_space<vmem>>, vector<1x3x2048xf32>
    %get3A_8 = vector.shape_cast %get3A_7 : vector<1x3x2048xf32> to vector<3x2048xf32>
    %slice3A = vector.extract_strided_slice %get3A_3 {offsets = [0, 0], sizes = [256, 1], strides = [1, 1]} : vector<256x3xf32> to vector<256x1xf32>
    %slice3A_9 = vector.extract_strided_slice %get3A_8 {offsets = [0, 0], sizes = [1, 2048], strides = [1, 1]} : vector<3x2048xf32> to vector<1x2048xf32>
    %sub3A = vector.broadcast %slice3A : vector<256x1xf32> to vector<256x2048xf32>
    %sub3A_10 = vector.broadcast %slice3A_9 : vector<1x2048xf32> to vector<256x2048xf32>
    %sub3A_11 = arith.subf %sub3A, %sub3A_10 : vector<256x2048xf32>
    %integer_pow3A = arith.mulf %sub3A_11, %sub3A_11 : vector<256x2048xf32>
    %slice3A_12 = vector.extract_strided_slice %get3A_3 {offsets = [0, 1], sizes = [256, 1], strides = [1, 1]} : vector<256x3xf32> to vector<256x1xf32>
    %slice3A_13 = vector.extract_strided_slice %get3A_8 {offsets = [1, 0], sizes = [1, 2048], strides = [1, 1]} : vector<3x2048xf32> to vector<1x2048xf32>
    %sub3A_14 = vector.broadcast %slice3A_12 : vector<256x1xf32> to vector<256x2048xf32>
    %sub3A_15 = vector.broadcast %slice3A_13 : vector<1x2048xf32> to vector<256x2048xf32>
    %sub3A_16 = arith.subf %sub3A_14, %sub3A_15 : vector<256x2048xf32>
    %integer_pow3A_17 = arith.mulf %sub3A_16, %sub3A_16 : vector<256x2048xf32>
    %add3A = arith.addf %integer_pow3A, %integer_pow3A_17 : vector<256x2048xf32>
    %slice3A_18 = vector.extract_strided_slice %get3A_3 {offsets = [0, 2], sizes = [256, 1], strides = [1, 1]} : vector<256x3xf32> to vector<256x1xf32>
    %slice3A_19 = vector.extract_strided_slice %get3A_8 {offsets = [2, 0], sizes = [1, 2048], strides = [1, 1]} : vector<3x2048xf32> to vector<1x2048xf32>
    %sub3A_20 = vector.broadcast %slice3A_18 : vector<256x1xf32> to vector<256x2048xf32>
    %sub3A_21 = vector.broadcast %slice3A_19 : vector<1x2048xf32> to vector<256x2048xf32>
    %sub3A_22 = arith.subf %sub3A_20, %sub3A_21 : vector<256x2048xf32>
    %integer_pow3A_23 = arith.mulf %sub3A_22, %sub3A_22 : vector<256x2048xf32>
    %add3A_24 = arith.addf %add3A, %integer_pow3A_23 : vector<256x2048xf32>
    %iota3A = tpu.iota {dimensions = array<i32: 1>} : vector<256x2048xi32>
    %mul3A = arith.constant 2048 : i32
    %mul3A_25 = arith.muli %arg0, %mul3A : i32
    %reduce_min3A = arith.constant dense<0x7F800000> : vector<256xf32>
    %reduce_min3A_26 = vector.multi_reduction <minimumf>, %add3A_24, %reduce_min3A [1] : vector<256x2048xf32> to vector<256xf32>
    %broadcast_in_dim3A = vector.shape_cast %reduce_min3A_26 : vector<256xf32> to vector<256x1xf32>
    %eq3A = vector.broadcast %broadcast_in_dim3A : vector<256x1xf32> to vector<256x2048xf32>
    %eq3A_27 = arith.cmpf oeq, %add3A_24, %eq3A : vector<256x2048xf32>
    %jit3A = arith.constant 2048 : i32
    %broadcast_in_dim3A_28 = vector.broadcast %jit3A : i32 to vector<256x2048xi32>
    %select_n3A = arith.select %eq3A_27, %iota3A, %broadcast_in_dim3A_28 : vector<256x2048xi1>, vector<256x2048xi32>
    %reduce_min3A_29 = arith.constant dense<2147483647> : vector<256xi32>
    %reduce_min3A_30 = vector.multi_reduction <minsi>, %select_n3A, %reduce_min3A_29 [1] : vector<256x2048xi32> to vector<256xi32>
    %broadcast_in_dim3A_31 = vector.shape_cast %reduce_min3A_30 : vector<256xi32> to vector<256x1xi32>
    %add3A_32 = vector.broadcast %mul3A_25 : i32 to vector<256x1xi32>
    %add3A_33 = arith.addi %broadcast_in_dim3A_31, %add3A_32 : vector<256x1xi32>
    %swap3A = arith.constant 0 : index
    %swap3A_34 = arith.constant 0 : index
    %swap3A_35 = arith.constant 0 : index
    %swap3A_36 = vector.load %arg4[%swap3A, %swap3A_34, %swap3A_35] : memref<1x256x32xi32, #tpu.memory_space<vmem>>, vector<1x256x1xi32>
    %swap3A_37 = vector.shape_cast %swap3A_36 : vector<1x256x1xi32> to vector<256x1xi32>
    %swap3A_38 = vector.shape_cast %add3A_33 : vector<256x1xi32> to vector<1x256x1xi32>
    tpu.vector_store %arg4[%swap3A, %swap3A_34, %swap3A_35], %swap3A_38 {strides = array<i32>} : memref<1x256x32xi32, #tpu.memory_space<vmem>>, vector<1x256x1xi32>,
    %jit3A_39 = arith.constant 0x7F800000 : f32
    %broadcast_in_dim3A_40 = vector.broadcast %jit3A_39 : f32 to vector<256x2048xf32>
    %select_n3A_41 = arith.select %eq3A_27, %broadcast_in_dim3A_40, %add3A_24 : vector<256x2048xi1>, vector<256x2048xf32>
    %reduce_min3A_42 = arith.constant dense<0x7F800000> : vector<256xf32>
    %reduce_min3A_43 = vector.multi_reduction <minimumf>, %select_n3A_41, %reduce_min3A_42 [1] : vector<256x2048xf32> to vector<256xf32>
    %broadcast_in_dim3A_44 = vector.shape_cast %reduce_min3A_43 : vector<256xf32> to vector<256x1xf32>
    %eq3A_45 = vector.broadcast %broadcast_in_dim3A_44 : vector<256x1xf32> to vector<256x2048xf32>
    %eq3A_46 = arith.cmpf oeq, %select_n3A_41, %eq3A_45 : vector<256x2048xf32>
    %jit3A_47 = arith.constant 2048 : i32
    %broadcast_in_dim3A_48 = vector.broadcast %jit3A_47 : i32 to vector<256x2048xi32>
    %select_n3A_49 = arith.select %eq3A_46, %iota3A, %broadcast_in_dim3A_48 : vector<256x2048xi1>, vector<256x2048xi32>
    %reduce_min3A_50 = arith.constant dense<2147483647> : vector<256xi32>
    %reduce_min3A_51 = vector.multi_reduction <minsi>, %select_n3A_49, %reduce_min3A_50 [1] : vector<256x2048xi32> to vector<256xi32>
    %broadcast_in_dim3A_52 = vector.shape_cast %reduce_min3A_51 : vector<256xi32> to vector<256x1xi32>
    %add3A_53 = vector.broadcast %mul3A_25 : i32 to vector<256x1xi32>
    %add3A_54 = arith.addi %broadcast_in_dim3A_52, %add3A_53 : vector<256x1xi32>
    %swap3A_55 = arith.constant 0 : index
    %swap3A_56 = arith.constant 0 : index
    %swap3A_57 = arith.constant 1 : index
    %swap3A_58 = vector.load %arg4[%swap3A_55, %swap3A_56, %swap3A_57] : memref<1x256x32xi32, #tpu.memory_space<vmem>>, vector<1x256x1xi32>
    %swap3A_59 = vector.shape_cast %swap3A_58 : vector<1x256x1xi32> to vector<256x1xi32>
    %swap3A_60 = vector.shape_cast %add3A_54 : vector<256x1xi32> to vector<1x256x1xi32>
    tpu.vector_store %arg4[%swap3A_55, %swap3A_56, %swap3A_57], %swap3A_60 {strides = array<i32>} : memref<1x256x32xi32, #tpu.memory_space<vmem>>, vector<1x256x1xi32>,
    %jit3A_61 = arith.constant 0x7F800000 : f32
    %broadcast_in_dim3A_62 = vector.broadcast %jit3A_61 : f32 to vector<256x2048xf32>
    %select_n3A_63 = arith.select %eq3A_46, %broadcast_in_dim3A_62, %select_n3A_41 : vector<256x2048xi1>, vector<256x2048xf32>
    %reduce_min3A_64 = arith.constant dense<0x7F800000> : vector<256xf32>
    %reduce_min3A_65 = vector.multi_reduction <minimumf>, %select_n3A_63, %reduce_min3A_64 [1] : vector<256x2048xf32> to vector<256xf32>
    %broadcast_in_dim3A_66 = vector.shape_cast %reduce_min3A_65 : vector<256xf32> to vector<256x1xf32>
    %eq3A_67 = vector.broadcast %broadcast_in_dim3A_66 : vector<256x1xf32> to vector<256x2048xf32>
    %eq3A_68 = arith.cmpf oeq, %select_n3A_63, %eq3A_67 : vector<256x2048xf32>
    %jit3A_69 = arith.constant 2048 : i32
    %broadcast_in_dim3A_70 = vector.broadcast %jit3A_69 : i32 to vector<256x2048xi32>
    %select_n3A_71 = arith.select %eq3A_68, %iota3A, %broadcast_in_dim3A_70 : vector<256x2048xi1>, vector<256x2048xi32>
    %reduce_min3A_72 = arith.constant dense<2147483647> : vector<256xi32>
    %reduce_min3A_73 = vector.multi_reduction <minsi>, %select_n3A_71, %reduce_min3A_72 [1] : vector<256x2048xi32> to vector<256xi32>
    %broadcast_in_dim3A_74 = vector.shape_cast %reduce_min3A_73 : vector<256xi32> to vector<256x1xi32>
    %add3A_75 = vector.broadcast %mul3A_25 : i32 to vector<256x1xi32>
    %add3A_76 = arith.addi %broadcast_in_dim3A_74, %add3A_75 : vector<256x1xi32>
    %swap3A_77 = arith.constant 0 : index
    %swap3A_78 = arith.constant 0 : index
    %swap3A_79 = arith.constant 2 : index
    %swap3A_80 = vector.load %arg4[%swap3A_77, %swap3A_78, %swap3A_79] : memref<1x256x32xi32, #tpu.memory_space<vmem>>, vector<1x256x1xi32>
    %swap3A_81 = vector.shape_cast %swap3A_80 : vector<1x256x1xi32> to vector<256x1xi32>
    %swap3A_82 = vector.shape_cast %add3A_76 : vector<256x1xi32> to vector<1x256x1xi32>
    tpu.vector_store %arg4[%swap3A_77, %swap3A_78, %swap3A_79], %swap3A_82 {strides = array<i32>} : memref<1x256x32xi32, #tpu.memory_space<vmem>>, vector<1x256x1xi32>,
    %jit3A_83 = arith.constant 0x7F800000 : f32
    %broadcast_in_dim3A_84 = vector.broadcast %jit3A_83 : f32 to vector<256x2048xf32>
    %select_n3A_85 = arith.select %eq3A_68, %broadcast_in_dim3A_84, %select_n3A_63 : vector<256x2048xi1>, vector<256x2048xf32>
    %reduce_min3A_86 = arith.constant dense<0x7F800000> : vector<256xf32>
    %reduce_min3A_87 = vector.multi_reduction <minimumf>, %select_n3A_85, %reduce_min3A_86 [1] : vector<256x2048xf32> to vector<256xf32>
    %broadcast_in_dim3A_88 = vector.shape_cast %reduce_min3A_87 : vector<256xf32> to vector<256x1xf32>
    %eq3A_89 = vector.broadcast %broadcast_in_dim3A_88 : vector<256x1xf32> to vector<256x2048xf32>
    %eq3A_90 = arith.cmpf oeq, %select_n3A_85, %eq3A_89 : vector<256x2048xf32>
    %jit3A_91 = arith.constant 2048 : i32
    %broadcast_in_dim3A_92 = vector.broadcast %jit3A_91 : i32 to vector<256x2048xi32>
    %select_n3A_93 = arith.select %eq3A_90, %iota3A, %broadcast_in_dim3A_92 : vector<256x2048xi1>, vector<256x2048xi32>
    %reduce_min3A_94 = arith.constant dense<2147483647> : vector<256xi32>
    %reduce_min3A_95 = vector.multi_reduction <minsi>, %select_n3A_93, %reduce_min3A_94 [1] : vector<256x2048xi32> to vector<256xi32>
    %broadcast_in_dim3A_96 = vector.shape_cast %reduce_min3A_95 : vector<256xi32> to vector<256x1xi32>
    %add3A_97 = vector.broadcast %mul3A_25 : i32 to vector<256x1xi32>
    %add3A_98 = arith.addi %broadcast_in_dim3A_96, %add3A_97 : vector<256x1xi32>
    %swap3A_99 = arith.constant 0 : index
    %swap3A_100 = arith.constant 0 : index
    %swap3A_101 = arith.constant 3 : index
    %swap3A_102 = vector.load %arg4[%swap3A_99, %swap3A_100, %swap3A_101] : memref<1x256x32xi32, #tpu.memory_space<vmem>>, vector<1x256x1xi32>
    %swap3A_103 = vector.shape_cast %swap3A_102 : vector<1x256x1xi32> to vector<256x1xi32>
    %swap3A_104 = vector.shape_cast %add3A_98 : vector<256x1xi32> to vector<1x256x1xi32>
    tpu.vector_store %arg4[%swap3A_99, %swap3A_100, %swap3A_101], %swap3A_104 {strides = array<i32>} : memref<1x256x32xi32, #tpu.memory_space<vmem>>, vector<1x256x1xi32>,
    %jit3A_105 = arith.constant 0x7F800000 : f32
    %broadcast_in_dim3A_106 = vector.broadcast %jit3A_105 : f32 to vector<256x2048xf32>
    %select_n3A_107 = arith.select %eq3A_90, %broadcast_in_dim3A_106, %select_n3A_85 : vector<256x2048xi1>, vector<256x2048xf32>
    %reduce_min3A_108 = arith.constant dense<0x7F800000> : vector<256xf32>
    %reduce_min3A_109 = vector.multi_reduction <minimumf>, %select_n3A_107, %reduce_min3A_108 [1] : vector<256x2048xf32> to vector<256xf32>
    %broadcast_in_dim3A_110 = vector.shape_cast %reduce_min3A_109 : vector<256xf32> to vector<256x1xf32>
    %eq3A_111 = vector.broadcast %broadcast_in_dim3A_110 : vector<256x1xf32> to vector<256x2048xf32>
    %eq3A_112 = arith.cmpf oeq, %select_n3A_107, %eq3A_111 : vector<256x2048xf32>
    %jit3A_113 = arith.constant 2048 : i32
    %broadcast_in_dim3A_114 = vector.broadcast %jit3A_113 : i32 to vector<256x2048xi32>
    %select_n3A_115 = arith.select %eq3A_112, %iota3A, %broadcast_in_dim3A_114 : vector<256x2048xi1>, vector<256x2048xi32>
    %reduce_min3A_116 = arith.constant dense<2147483647> : vector<256xi32>
    %reduce_min3A_117 = vector.multi_reduction <minsi>, %select_n3A_115, %reduce_min3A_116 [1] : vector<256x2048xi32> to vector<256xi32>
    %broadcast_in_dim3A_118 = vector.shape_cast %reduce_min3A_117 : vector<256xi32> to vector<256x1xi32>
    %add3A_119 = vector.broadcast %mul3A_25 : i32 to vector<256x1xi32>
    %add3A_120 = arith.addi %broadcast_in_dim3A_118, %add3A_119 : vector<256x1xi32>
    %swap3A_121 = arith.constant 0 : index
    %swap3A_122 = arith.constant 0 : index
    %swap3A_123 = arith.constant 4 : index
    %swap3A_124 = vector.load %arg4[%swap3A_121, %swap3A_122, %swap3A_123] : memref<1x256x32xi32, #tpu.memory_space<vmem>>, vector<1x256x1xi32>
    %swap3A_125 = vector.shape_cast %swap3A_124 : vector<1x256x1xi32> to vector<256x1xi32>
    %swap3A_126 = vector.shape_cast %add3A_120 : vector<256x1xi32> to vector<1x256x1xi32>
    tpu.vector_store %arg4[%swap3A_121, %swap3A_122, %swap3A_123], %swap3A_126 {strides = array<i32>} : memref<1x256x32xi32, #tpu.memory_space<vmem>>, vector<1x256x1xi32>,
    %jit3A_127 = arith.constant 0x7F800000 : f32
    %broadcast_in_dim3A_128 = vector.broadcast %jit3A_127 : f32 to vector<256x2048xf32>
    %select_n3A_129 = arith.select %eq3A_112, %broadcast_in_dim3A_128, %select_n3A_107 : vector<256x2048xi1>, vector<256x2048xf32>
    %reduce_min3A_130 = arith.constant dense<0x7F800000> : vector<256xf32>
    %reduce_min3A_131 = vector.multi_reduction <minimumf>, %select_n3A_129, %reduce_min3A_130 [1] : vector<256x2048xf32> to vector<256xf32>
    %broadcast_in_dim3A_132 = vector.shape_cast %reduce_min3A_131 : vector<256xf32> to vector<256x1xf32>
    %eq3A_133 = vector.broadcast %broadcast_in_dim3A_132 : vector<256x1xf32> to vector<256x2048xf32>
    %eq3A_134 = arith.cmpf oeq, %select_n3A_129, %eq3A_133 : vector<256x2048xf32>
    %jit3A_135 = arith.constant 2048 : i32
    %broadcast_in_dim3A_136 = vector.broadcast %jit3A_135 : i32 to vector<256x2048xi32>
    %select_n3A_137 = arith.select %eq3A_134, %iota3A, %broadcast_in_dim3A_136 : vector<256x2048xi1>, vector<256x2048xi32>
    %reduce_min3A_138 = arith.constant dense<2147483647> : vector<256xi32>
    %reduce_min3A_139 = vector.multi_reduction <minsi>, %select_n3A_137, %reduce_min3A_138 [1] : vector<256x2048xi32> to vector<256xi32>
    %broadcast_in_dim3A_140 = vector.shape_cast %reduce_min3A_139 : vector<256xi32> to vector<256x1xi32>
    %add3A_141 = vector.broadcast %mul3A_25 : i32 to vector<256x1xi32>
    %add3A_142 = arith.addi %broadcast_in_dim3A_140, %add3A_141 : vector<256x1xi32>
    %swap3A_143 = arith.constant 0 : index
    %swap3A_144 = arith.constant 0 : index
    %swap3A_145 = arith.constant 5 : index
    %swap3A_146 = vector.load %arg4[%swap3A_143, %swap3A_144, %swap3A_145] : memref<1x256x32xi32, #tpu.memory_space<vmem>>, vector<1x256x1xi32>
    %swap3A_147 = vector.shape_cast %swap3A_146 : vector<1x256x1xi32> to vector<256x1xi32>
    %swap3A_148 = vector.shape_cast %add3A_142 : vector<256x1xi32> to vector<1x256x1xi32>
    tpu.vector_store %arg4[%swap3A_143, %swap3A_144, %swap3A_145], %swap3A_148 {strides = array<i32>} : memref<1x256x32xi32, #tpu.memory_space<vmem>>, vector<1x256x1xi32>,
    %jit3A_149 = arith.constant 0x7F800000 : f32
    %broadcast_in_dim3A_150 = vector.broadcast %jit3A_149 : f32 to vector<256x2048xf32>
    %select_n3A_151 = arith.select %eq3A_134, %broadcast_in_dim3A_150, %select_n3A_129 : vector<256x2048xi1>, vector<256x2048xf32>
    %reduce_min3A_152 = arith.constant dense<0x7F800000> : vector<256xf32>
    %reduce_min3A_153 = vector.multi_reduction <minimumf>, %select_n3A_151, %reduce_min3A_152 [1] : vector<256x2048xf32> to vector<256xf32>
    %broadcast_in_dim3A_154 = vector.shape_cast %reduce_min3A_153 : vector<256xf32> to vector<256x1xf32>
    %eq3A_155 = vector.broadcast %broadcast_in_dim3A_154 : vector<256x1xf32> to vector<256x2048xf32>
    %eq3A_156 = arith.cmpf oeq, %select_n3A_151, %eq3A_155 : vector<256x2048xf32>
    %jit3A_157 = arith.constant 2048 : i32
    %broadcast_in_dim3A_158 = vector.broadcast %jit3A_157 : i32 to vector<256x2048xi32>
    %select_n3A_159 = arith.select %eq3A_156, %iota3A, %broadcast_in_dim3A_158 : vector<256x2048xi1>, vector<256x2048xi32>
    %reduce_min3A_160 = arith.constant dense<2147483647> : vector<256xi32>
    %reduce_min3A_161 = vector.multi_reduction <minsi>, %select_n3A_159, %reduce_min3A_160 [1] : vector<256x2048xi32> to vector<256xi32>
    %broadcast_in_dim3A_162 = vector.shape_cast %reduce_min3A_161 : vector<256xi32> to vector<256x1xi32>
    %add3A_163 = vector.broadcast %mul3A_25 : i32 to vector<256x1xi32>
    %add3A_164 = arith.addi %broadcast_in_dim3A_162, %add3A_163 : vector<256x1xi32>
    %swap3A_165 = arith.constant 0 : index
    %swap3A_166 = arith.constant 0 : index
    %swap3A_167 = arith.constant 6 : index
    %swap3A_168 = vector.load %arg4[%swap3A_165, %swap3A_166, %swap3A_167] : memref<1x256x32xi32, #tpu.memory_space<vmem>>, vector<1x256x1xi32>
    %swap3A_169 = vector.shape_cast %swap3A_168 : vector<1x256x1xi32> to vector<256x1xi32>
    %swap3A_170 = vector.shape_cast %add3A_164 : vector<256x1xi32> to vector<1x256x1xi32>
    tpu.vector_store %arg4[%swap3A_165, %swap3A_166, %swap3A_167], %swap3A_170 {strides = array<i32>} : memref<1x256x32xi32, #tpu.memory_space<vmem>>, vector<1x256x1xi32>,
    %jit3A_171 = arith.constant 0x7F800000 : f32
    %broadcast_in_dim3A_172 = vector.broadcast %jit3A_171 : f32 to vector<256x2048xf32>
    %select_n3A_173 = arith.select %eq3A_156, %broadcast_in_dim3A_172, %select_n3A_151 : vector<256x2048xi1>, vector<256x2048xf32>
    %reduce_min3A_174 = arith.constant dense<0x7F800000> : vector<256xf32>
    %reduce_min3A_175 = vector.multi_reduction <minimumf>, %select_n3A_173, %reduce_min3A_174 [1] : vector<256x2048xf32> to vector<256xf32>
    %broadcast_in_dim3A_176 = vector.shape_cast %reduce_min3A_175 : vector<256xf32> to vector<256x1xf32>
    %eq3A_177 = vector.broadcast %broadcast_in_dim3A_176 : vector<256x1xf32> to vector<256x2048xf32>
    %eq3A_178 = arith.cmpf oeq, %select_n3A_173, %eq3A_177 : vector<256x2048xf32>
    %jit3A_179 = arith.constant 2048 : i32
    %broadcast_in_dim3A_180 = vector.broadcast %jit3A_179 : i32 to vector<256x2048xi32>
    %select_n3A_181 = arith.select %eq3A_178, %iota3A, %broadcast_in_dim3A_180 : vector<256x2048xi1>, vector<256x2048xi32>
    %reduce_min3A_182 = arith.constant dense<2147483647> : vector<256xi32>
    %reduce_min3A_183 = vector.multi_reduction <minsi>, %select_n3A_181, %reduce_min3A_182 [1] : vector<256x2048xi32> to vector<256xi32>
    %broadcast_in_dim3A_184 = vector.shape_cast %reduce_min3A_183 : vector<256xi32> to vector<256x1xi32>
    %add3A_185 = vector.broadcast %mul3A_25 : i32 to vector<256x1xi32>
    %add3A_186 = arith.addi %broadcast_in_dim3A_184, %add3A_185 : vector<256x1xi32>
    %swap3A_187 = arith.constant 0 : index
    %swap3A_188 = arith.constant 0 : index
    %swap3A_189 = arith.constant 7 : index
    %swap3A_190 = vector.load %arg4[%swap3A_187, %swap3A_188, %swap3A_189] : memref<1x256x32xi32, #tpu.memory_space<vmem>>, vector<1x256x1xi32>
    %swap3A_191 = vector.shape_cast %swap3A_190 : vector<1x256x1xi32> to vector<256x1xi32>
    %swap3A_192 = vector.shape_cast %add3A_186 : vector<256x1xi32> to vector<1x256x1xi32>
    tpu.vector_store %arg4[%swap3A_187, %swap3A_188, %swap3A_189], %swap3A_192 {strides = array<i32>} : memref<1x256x32xi32, #tpu.memory_space<vmem>>, vector<1x256x1xi32>,
    %jit3A_193 = arith.constant 0x7F800000 : f32
    %broadcast_in_dim3A_194 = vector.broadcast %jit3A_193 : f32 to vector<256x2048xf32>
    %select_n3A_195 = arith.select %eq3A_178, %broadcast_in_dim3A_194, %select_n3A_173 : vector<256x2048xi1>, vector<256x2048xf32>
    %reduce_min3A_196 = arith.constant dense<0x7F800000> : vector<256xf32>
    %reduce_min3A_197 = vector.multi_reduction <minimumf>, %select_n3A_195, %reduce_min3A_196 [1] : vector<256x2048xf32> to vector<256xf32>
    %broadcast_in_dim3A_198 = vector.shape_cast %reduce_min3A_197 : vector<256xf32> to vector<256x1xf32>
    %eq3A_199 = vector.broadcast %broadcast_in_dim3A_198 : vector<256x1xf32> to vector<256x2048xf32>
    %eq3A_200 = arith.cmpf oeq, %select_n3A_195, %eq3A_199 : vector<256x2048xf32>
    %jit3A_201 = arith.constant 2048 : i32
    %broadcast_in_dim3A_202 = vector.broadcast %jit3A_201 : i32 to vector<256x2048xi32>
    %select_n3A_203 = arith.select %eq3A_200, %iota3A, %broadcast_in_dim3A_202 : vector<256x2048xi1>, vector<256x2048xi32>
    %reduce_min3A_204 = arith.constant dense<2147483647> : vector<256xi32>
    %reduce_min3A_205 = vector.multi_reduction <minsi>, %select_n3A_203, %reduce_min3A_204 [1] : vector<256x2048xi32> to vector<256xi32>
    %broadcast_in_dim3A_206 = vector.shape_cast %reduce_min3A_205 : vector<256xi32> to vector<256x1xi32>
    %add3A_207 = vector.broadcast %mul3A_25 : i32 to vector<256x1xi32>
    %add3A_208 = arith.addi %broadcast_in_dim3A_206, %add3A_207 : vector<256x1xi32>
    %swap3A_209 = arith.constant 0 : index
    %swap3A_210 = arith.constant 0 : index
    %swap3A_211 = arith.constant 8 : index
    %swap3A_212 = vector.load %arg4[%swap3A_209, %swap3A_210, %swap3A_211] : memref<1x256x32xi32, #tpu.memory_space<vmem>>, vector<1x256x1xi32>
    %swap3A_213 = vector.shape_cast %swap3A_212 : vector<1x256x1xi32> to vector<256x1xi32>
    %swap3A_214 = vector.shape_cast %add3A_208 : vector<256x1xi32> to vector<1x256x1xi32>
    tpu.vector_store %arg4[%swap3A_209, %swap3A_210, %swap3A_211], %swap3A_214 {strides = array<i32>} : memref<1x256x32xi32, #tpu.memory_space<vmem>>, vector<1x256x1xi32>,
    %jit3A_215 = arith.constant 0x7F800000 : f32
    %broadcast_in_dim3A_216 = vector.broadcast %jit3A_215 : f32 to vector<256x2048xf32>
    %select_n3A_217 = arith.select %eq3A_200, %broadcast_in_dim3A_216, %select_n3A_195 : vector<256x2048xi1>, vector<256x2048xf32>
    %reduce_min3A_218 = arith.constant dense<0x7F800000> : vector<256xf32>
    %reduce_min3A_219 = vector.multi_reduction <minimumf>, %select_n3A_217, %reduce_min3A_218 [1] : vector<256x2048xf32> to vector<256xf32>
    %broadcast_in_dim3A_220 = vector.shape_cast %reduce_min3A_219 : vector<256xf32> to vector<256x1xf32>
    %eq3A_221 = vector.broadcast %broadcast_in_dim3A_220 : vector<256x1xf32> to vector<256x2048xf32>
    %eq3A_222 = arith.cmpf oeq, %select_n3A_217, %eq3A_221 : vector<256x2048xf32>
    %jit3A_223 = arith.constant 2048 : i32
    %broadcast_in_dim3A_224 = vector.broadcast %jit3A_223 : i32 to vector<256x2048xi32>
    %select_n3A_225 = arith.select %eq3A_222, %iota3A, %broadcast_in_dim3A_224 : vector<256x2048xi1>, vector<256x2048xi32>
    %reduce_min3A_226 = arith.constant dense<2147483647> : vector<256xi32>
    %reduce_min3A_227 = vector.multi_reduction <minsi>, %select_n3A_225, %reduce_min3A_226 [1] : vector<256x2048xi32> to vector<256xi32>
    %broadcast_in_dim3A_228 = vector.shape_cast %reduce_min3A_227 : vector<256xi32> to vector<256x1xi32>
    %add3A_229 = vector.broadcast %mul3A_25 : i32 to vector<256x1xi32>
    %add3A_230 = arith.addi %broadcast_in_dim3A_228, %add3A_229 : vector<256x1xi32>
    %swap3A_231 = arith.constant 0 : index
    %swap3A_232 = arith.constant 0 : index
    %swap3A_233 = arith.constant 9 : index
    %swap3A_234 = vector.load %arg4[%swap3A_231, %swap3A_232, %swap3A_233] : memref<1x256x32xi32, #tpu.memory_space<vmem>>, vector<1x256x1xi32>
    %swap3A_235 = vector.shape_cast %swap3A_234 : vector<1x256x1xi32> to vector<256x1xi32>
    %swap3A_236 = vector.shape_cast %add3A_230 : vector<256x1xi32> to vector<1x256x1xi32>
    tpu.vector_store %arg4[%swap3A_231, %swap3A_232, %swap3A_233], %swap3A_236 {strides = array<i32>} : memref<1x256x32xi32, #tpu.memory_space<vmem>>, vector<1x256x1xi32>,
    %jit3A_237 = arith.constant 0x7F800000 : f32
    %broadcast_in_dim3A_238 = vector.broadcast %jit3A_237 : f32 to vector<256x2048xf32>
    %select_n3A_239 = arith.select %eq3A_222, %broadcast_in_dim3A_238, %select_n3A_217 : vector<256x2048xi1>, vector<256x2048xf32>
    %reduce_min3A_240 = arith.constant dense<0x7F800000> : vector<256xf32>
    %reduce_min3A_241 = vector.multi_reduction <minimumf>, %select_n3A_239, %reduce_min3A_240 [1] : vector<256x2048xf32> to vector<256xf32>
    %broadcast_in_dim3A_242 = vector.shape_cast %reduce_min3A_241 : vector<256xf32> to vector<256x1xf32>
    %eq3A_243 = vector.broadcast %broadcast_in_dim3A_242 : vector<256x1xf32> to vector<256x2048xf32>
    %eq3A_244 = arith.cmpf oeq, %select_n3A_239, %eq3A_243 : vector<256x2048xf32>
    %jit3A_245 = arith.constant 2048 : i32
    %broadcast_in_dim3A_246 = vector.broadcast %jit3A_245 : i32 to vector<256x2048xi32>
    %select_n3A_247 = arith.select %eq3A_244, %iota3A, %broadcast_in_dim3A_246 : vector<256x2048xi1>, vector<256x2048xi32>
    %reduce_min3A_248 = arith.constant dense<2147483647> : vector<256xi32>
    %reduce_min3A_249 = vector.multi_reduction <minsi>, %select_n3A_247, %reduce_min3A_248 [1] : vector<256x2048xi32> to vector<256xi32>
    %broadcast_in_dim3A_250 = vector.shape_cast %reduce_min3A_249 : vector<256xi32> to vector<256x1xi32>
    %add3A_251 = vector.broadcast %mul3A_25 : i32 to vector<256x1xi32>
    %add3A_252 = arith.addi %broadcast_in_dim3A_250, %add3A_251 : vector<256x1xi32>
    %swap3A_253 = arith.constant 0 : index
    %swap3A_254 = arith.constant 0 : index
    %swap3A_255 = arith.constant 10 : index
    %swap3A_256 = vector.load %arg4[%swap3A_253, %swap3A_254, %swap3A_255] : memref<1x256x32xi32, #tpu.memory_space<vmem>>, vector<1x256x1xi32>
    %swap3A_257 = vector.shape_cast %swap3A_256 : vector<1x256x1xi32> to vector<256x1xi32>
    %swap3A_258 = vector.shape_cast %add3A_252 : vector<256x1xi32> to vector<1x256x1xi32>
    tpu.vector_store %arg4[%swap3A_253, %swap3A_254, %swap3A_255], %swap3A_258 {strides = array<i32>} : memref<1x256x32xi32, #tpu.memory_space<vmem>>, vector<1x256x1xi32>,
    %jit3A_259 = arith.constant 0x7F800000 : f32
    %broadcast_in_dim3A_260 = vector.broadcast %jit3A_259 : f32 to vector<256x2048xf32>
    %select_n3A_261 = arith.select %eq3A_244, %broadcast_in_dim3A_260, %select_n3A_239 : vector<256x2048xi1>, vector<256x2048xf32>
    %reduce_min3A_262 = arith.constant dense<0x7F800000> : vector<256xf32>
    %reduce_min3A_263 = vector.multi_reduction <minimumf>, %select_n3A_261, %reduce_min3A_262 [1] : vector<256x2048xf32> to vector<256xf32>
    %broadcast_in_dim3A_264 = vector.shape_cast %reduce_min3A_263 : vector<256xf32> to vector<256x1xf32>
    %eq3A_265 = vector.broadcast %broadcast_in_dim3A_264 : vector<256x1xf32> to vector<256x2048xf32>
    %eq3A_266 = arith.cmpf oeq, %select_n3A_261, %eq3A_265 : vector<256x2048xf32>
    %jit3A_267 = arith.constant 2048 : i32
    %broadcast_in_dim3A_268 = vector.broadcast %jit3A_267 : i32 to vector<256x2048xi32>
    %select_n3A_269 = arith.select %eq3A_266, %iota3A, %broadcast_in_dim3A_268 : vector<256x2048xi1>, vector<256x2048xi32>
    %reduce_min3A_270 = arith.constant dense<2147483647> : vector<256xi32>
    %reduce_min3A_271 = vector.multi_reduction <minsi>, %select_n3A_269, %reduce_min3A_270 [1] : vector<256x2048xi32> to vector<256xi32>
    %broadcast_in_dim3A_272 = vector.shape_cast %reduce_min3A_271 : vector<256xi32> to vector<256x1xi32>
    %add3A_273 = vector.broadcast %mul3A_25 : i32 to vector<256x1xi32>
    %add3A_274 = arith.addi %broadcast_in_dim3A_272, %add3A_273 : vector<256x1xi32>
    %swap3A_275 = arith.constant 0 : index
    %swap3A_276 = arith.constant 0 : index
    %swap3A_277 = arith.constant 11 : index
    %swap3A_278 = vector.load %arg4[%swap3A_275, %swap3A_276, %swap3A_277] : memref<1x256x32xi32, #tpu.memory_space<vmem>>, vector<1x256x1xi32>
    %swap3A_279 = vector.shape_cast %swap3A_278 : vector<1x256x1xi32> to vector<256x1xi32>
    %swap3A_280 = vector.shape_cast %add3A_274 : vector<256x1xi32> to vector<1x256x1xi32>
    tpu.vector_store %arg4[%swap3A_275, %swap3A_276, %swap3A_277], %swap3A_280 {strides = array<i32>} : memref<1x256x32xi32, #tpu.memory_space<vmem>>, vector<1x256x1xi32>,
    %jit3A_281 = arith.constant 0x7F800000 : f32
    %broadcast_in_dim3A_282 = vector.broadcast %jit3A_281 : f32 to vector<256x2048xf32>
    %select_n3A_283 = arith.select %eq3A_266, %broadcast_in_dim3A_282, %select_n3A_261 : vector<256x2048xi1>, vector<256x2048xf32>
    %reduce_min3A_284 = arith.constant dense<0x7F800000> : vector<256xf32>
    %reduce_min3A_285 = vector.multi_reduction <minimumf>, %select_n3A_283, %reduce_min3A_284 [1] : vector<256x2048xf32> to vector<256xf32>
    %broadcast_in_dim3A_286 = vector.shape_cast %reduce_min3A_285 : vector<256xf32> to vector<256x1xf32>
    %eq3A_287 = vector.broadcast %broadcast_in_dim3A_286 : vector<256x1xf32> to vector<256x2048xf32>
    %eq3A_288 = arith.cmpf oeq, %select_n3A_283, %eq3A_287 : vector<256x2048xf32>
    %jit3A_289 = arith.constant 2048 : i32
    %broadcast_in_dim3A_290 = vector.broadcast %jit3A_289 : i32 to vector<256x2048xi32>
    %select_n3A_291 = arith.select %eq3A_288, %iota3A, %broadcast_in_dim3A_290 : vector<256x2048xi1>, vector<256x2048xi32>
    %reduce_min3A_292 = arith.constant dense<2147483647> : vector<256xi32>
    %reduce_min3A_293 = vector.multi_reduction <minsi>, %select_n3A_291, %reduce_min3A_292 [1] : vector<256x2048xi32> to vector<256xi32>
    %broadcast_in_dim3A_294 = vector.shape_cast %reduce_min3A_293 : vector<256xi32> to vector<256x1xi32>
    %add3A_295 = vector.broadcast %mul3A_25 : i32 to vector<256x1xi32>
    %add3A_296 = arith.addi %broadcast_in_dim3A_294, %add3A_295 : vector<256x1xi32>
    %swap3A_297 = arith.constant 0 : index
    %swap3A_298 = arith.constant 0 : index
    %swap3A_299 = arith.constant 12 : index
    %swap3A_300 = vector.load %arg4[%swap3A_297, %swap3A_298, %swap3A_299] : memref<1x256x32xi32, #tpu.memory_space<vmem>>, vector<1x256x1xi32>
    %swap3A_301 = vector.shape_cast %swap3A_300 : vector<1x256x1xi32> to vector<256x1xi32>
    %swap3A_302 = vector.shape_cast %add3A_296 : vector<256x1xi32> to vector<1x256x1xi32>
    tpu.vector_store %arg4[%swap3A_297, %swap3A_298, %swap3A_299], %swap3A_302 {strides = array<i32>} : memref<1x256x32xi32, #tpu.memory_space<vmem>>, vector<1x256x1xi32>,
    %jit3A_303 = arith.constant 0x7F800000 : f32
    %broadcast_in_dim3A_304 = vector.broadcast %jit3A_303 : f32 to vector<256x2048xf32>
    %select_n3A_305 = arith.select %eq3A_288, %broadcast_in_dim3A_304, %select_n3A_283 : vector<256x2048xi1>, vector<256x2048xf32>
    %reduce_min3A_306 = arith.constant dense<0x7F800000> : vector<256xf32>
    %reduce_min3A_307 = vector.multi_reduction <minimumf>, %select_n3A_305, %reduce_min3A_306 [1] : vector<256x2048xf32> to vector<256xf32>
    %broadcast_in_dim3A_308 = vector.shape_cast %reduce_min3A_307 : vector<256xf32> to vector<256x1xf32>
    %eq3A_309 = vector.broadcast %broadcast_in_dim3A_308 : vector<256x1xf32> to vector<256x2048xf32>
    %eq3A_310 = arith.cmpf oeq, %select_n3A_305, %eq3A_309 : vector<256x2048xf32>
    %jit3A_311 = arith.constant 2048 : i32
    %broadcast_in_dim3A_312 = vector.broadcast %jit3A_311 : i32 to vector<256x2048xi32>
    %select_n3A_313 = arith.select %eq3A_310, %iota3A, %broadcast_in_dim3A_312 : vector<256x2048xi1>, vector<256x2048xi32>
    %reduce_min3A_314 = arith.constant dense<2147483647> : vector<256xi32>
    %reduce_min3A_315 = vector.multi_reduction <minsi>, %select_n3A_313, %reduce_min3A_314 [1] : vector<256x2048xi32> to vector<256xi32>
    %broadcast_in_dim3A_316 = vector.shape_cast %reduce_min3A_315 : vector<256xi32> to vector<256x1xi32>
    %add3A_317 = vector.broadcast %mul3A_25 : i32 to vector<256x1xi32>
    %add3A_318 = arith.addi %broadcast_in_dim3A_316, %add3A_317 : vector<256x1xi32>
    %swap3A_319 = arith.constant 0 : index
    %swap3A_320 = arith.constant 0 : index
    %swap3A_321 = arith.constant 13 : index
    %swap3A_322 = vector.load %arg4[%swap3A_319, %swap3A_320, %swap3A_321] : memref<1x256x32xi32, #tpu.memory_space<vmem>>, vector<1x256x1xi32>
    %swap3A_323 = vector.shape_cast %swap3A_322 : vector<1x256x1xi32> to vector<256x1xi32>
    %swap3A_324 = vector.shape_cast %add3A_318 : vector<256x1xi32> to vector<1x256x1xi32>
    tpu.vector_store %arg4[%swap3A_319, %swap3A_320, %swap3A_321], %swap3A_324 {strides = array<i32>} : memref<1x256x32xi32, #tpu.memory_space<vmem>>, vector<1x256x1xi32>,
    %jit3A_325 = arith.constant 0x7F800000 : f32
    %broadcast_in_dim3A_326 = vector.broadcast %jit3A_325 : f32 to vector<256x2048xf32>
    %select_n3A_327 = arith.select %eq3A_310, %broadcast_in_dim3A_326, %select_n3A_305 : vector<256x2048xi1>, vector<256x2048xf32>
    %reduce_min3A_328 = arith.constant dense<0x7F800000> : vector<256xf32>
    %reduce_min3A_329 = vector.multi_reduction <minimumf>, %select_n3A_327, %reduce_min3A_328 [1] : vector<256x2048xf32> to vector<256xf32>
    %broadcast_in_dim3A_330 = vector.shape_cast %reduce_min3A_329 : vector<256xf32> to vector<256x1xf32>
    %eq3A_331 = vector.broadcast %broadcast_in_dim3A_330 : vector<256x1xf32> to vector<256x2048xf32>
    %eq3A_332 = arith.cmpf oeq, %select_n3A_327, %eq3A_331 : vector<256x2048xf32>
    %jit3A_333 = arith.constant 2048 : i32
    %broadcast_in_dim3A_334 = vector.broadcast %jit3A_333 : i32 to vector<256x2048xi32>
    %select_n3A_335 = arith.select %eq3A_332, %iota3A, %broadcast_in_dim3A_334 : vector<256x2048xi1>, vector<256x2048xi32>
    %reduce_min3A_336 = arith.constant dense<2147483647> : vector<256xi32>
    %reduce_min3A_337 = vector.multi_reduction <minsi>, %select_n3A_335, %reduce_min3A_336 [1] : vector<256x2048xi32> to vector<256xi32>
    %broadcast_in_dim3A_338 = vector.shape_cast %reduce_min3A_337 : vector<256xi32> to vector<256x1xi32>
    %add3A_339 = vector.broadcast %mul3A_25 : i32 to vector<256x1xi32>
    %add3A_340 = arith.addi %broadcast_in_dim3A_338, %add3A_339 : vector<256x1xi32>
    %swap3A_341 = arith.constant 0 : index
    %swap3A_342 = arith.constant 0 : index
    %swap3A_343 = arith.constant 14 : index
    %swap3A_344 = vector.load %arg4[%swap3A_341, %swap3A_342, %swap3A_343] : memref<1x256x32xi32, #tpu.memory_space<vmem>>, vector<1x256x1xi32>
    %swap3A_345 = vector.shape_cast %swap3A_344 : vector<1x256x1xi32> to vector<256x1xi32>
    %swap3A_346 = vector.shape_cast %add3A_340 : vector<256x1xi32> to vector<1x256x1xi32>
    tpu.vector_store %arg4[%swap3A_341, %swap3A_342, %swap3A_343], %swap3A_346 {strides = array<i32>} : memref<1x256x32xi32, #tpu.memory_space<vmem>>, vector<1x256x1xi32>,
    %jit3A_347 = arith.constant 0x7F800000 : f32
    %broadcast_in_dim3A_348 = vector.broadcast %jit3A_347 : f32 to vector<256x2048xf32>
    %select_n3A_349 = arith.select %eq3A_332, %broadcast_in_dim3A_348, %select_n3A_327 : vector<256x2048xi1>, vector<256x2048xf32>
    %reduce_min3A_350 = arith.constant dense<0x7F800000> : vector<256xf32>
    %reduce_min3A_351 = vector.multi_reduction <minimumf>, %select_n3A_349, %reduce_min3A_350 [1] : vector<256x2048xf32> to vector<256xf32>
    %broadcast_in_dim3A_352 = vector.shape_cast %reduce_min3A_351 : vector<256xf32> to vector<256x1xf32>
    %eq3A_353 = vector.broadcast %broadcast_in_dim3A_352 : vector<256x1xf32> to vector<256x2048xf32>
    %eq3A_354 = arith.cmpf oeq, %select_n3A_349, %eq3A_353 : vector<256x2048xf32>
    %jit3A_355 = arith.constant 2048 : i32
    %broadcast_in_dim3A_356 = vector.broadcast %jit3A_355 : i32 to vector<256x2048xi32>
    %select_n3A_357 = arith.select %eq3A_354, %iota3A, %broadcast_in_dim3A_356 : vector<256x2048xi1>, vector<256x2048xi32>
    %reduce_min3A_358 = arith.constant dense<2147483647> : vector<256xi32>
    %reduce_min3A_359 = vector.multi_reduction <minsi>, %select_n3A_357, %reduce_min3A_358 [1] : vector<256x2048xi32> to vector<256xi32>
    %broadcast_in_dim3A_360 = vector.shape_cast %reduce_min3A_359 : vector<256xi32> to vector<256x1xi32>
    %add3A_361 = vector.broadcast %mul3A_25 : i32 to vector<256x1xi32>
    %add3A_362 = arith.addi %broadcast_in_dim3A_360, %add3A_361 : vector<256x1xi32>
    %swap3A_363 = arith.constant 0 : index
    %swap3A_364 = arith.constant 0 : index
    %swap3A_365 = arith.constant 15 : index
    %swap3A_366 = vector.load %arg4[%swap3A_363, %swap3A_364, %swap3A_365] : memref<1x256x32xi32, #tpu.memory_space<vmem>>, vector<1x256x1xi32>
    %swap3A_367 = vector.shape_cast %swap3A_366 : vector<1x256x1xi32> to vector<256x1xi32>
    %swap3A_368 = vector.shape_cast %add3A_362 : vector<256x1xi32> to vector<1x256x1xi32>
    tpu.vector_store %arg4[%swap3A_363, %swap3A_364, %swap3A_365], %swap3A_368 {strides = array<i32>} : memref<1x256x32xi32, #tpu.memory_space<vmem>>, vector<1x256x1xi32>,
    %jit3A_369 = arith.constant 0x7F800000 : f32
    %broadcast_in_dim3A_370 = vector.broadcast %jit3A_369 : f32 to vector<256x2048xf32>
    %select_n3A_371 = arith.select %eq3A_354, %broadcast_in_dim3A_370, %select_n3A_349 : vector<256x2048xi1>, vector<256x2048xf32>
    %reduce_min3A_372 = arith.constant dense<0x7F800000> : vector<256xf32>
    %reduce_min3A_373 = vector.multi_reduction <minimumf>, %select_n3A_371, %reduce_min3A_372 [1] : vector<256x2048xf32> to vector<256xf32>
    %broadcast_in_dim3A_374 = vector.shape_cast %reduce_min3A_373 : vector<256xf32> to vector<256x1xf32>
    %eq3A_375 = vector.broadcast %broadcast_in_dim3A_374 : vector<256x1xf32> to vector<256x2048xf32>
    %eq3A_376 = arith.cmpf oeq, %select_n3A_371, %eq3A_375 : vector<256x2048xf32>
    %jit3A_377 = arith.constant 2048 : i32
    %broadcast_in_dim3A_378 = vector.broadcast %jit3A_377 : i32 to vector<256x2048xi32>
    %select_n3A_379 = arith.select %eq3A_376, %iota3A, %broadcast_in_dim3A_378 : vector<256x2048xi1>, vector<256x2048xi32>
    %reduce_min3A_380 = arith.constant dense<2147483647> : vector<256xi32>
    %reduce_min3A_381 = vector.multi_reduction <minsi>, %select_n3A_379, %reduce_min3A_380 [1] : vector<256x2048xi32> to vector<256xi32>
    %broadcast_in_dim3A_382 = vector.shape_cast %reduce_min3A_381 : vector<256xi32> to vector<256x1xi32>
    %add3A_383 = vector.broadcast %mul3A_25 : i32 to vector<256x1xi32>
    %add3A_384 = arith.addi %broadcast_in_dim3A_382, %add3A_383 : vector<256x1xi32>
    %swap3A_385 = arith.constant 0 : index
    %swap3A_386 = arith.constant 0 : index
    %swap3A_387 = arith.constant 16 : index
    %swap3A_388 = vector.load %arg4[%swap3A_385, %swap3A_386, %swap3A_387] : memref<1x256x32xi32, #tpu.memory_space<vmem>>, vector<1x256x1xi32>
    %swap3A_389 = vector.shape_cast %swap3A_388 : vector<1x256x1xi32> to vector<256x1xi32>
    %swap3A_390 = vector.shape_cast %add3A_384 : vector<256x1xi32> to vector<1x256x1xi32>
    tpu.vector_store %arg4[%swap3A_385, %swap3A_386, %swap3A_387], %swap3A_390 {strides = array<i32>} : memref<1x256x32xi32, #tpu.memory_space<vmem>>, vector<1x256x1xi32>,
    %jit3A_391 = arith.constant 0x7F800000 : f32
    %broadcast_in_dim3A_392 = vector.broadcast %jit3A_391 : f32 to vector<256x2048xf32>
    %select_n3A_393 = arith.select %eq3A_376, %broadcast_in_dim3A_392, %select_n3A_371 : vector<256x2048xi1>, vector<256x2048xf32>
    %reduce_min3A_394 = arith.constant dense<0x7F800000> : vector<256xf32>
    %reduce_min3A_395 = vector.multi_reduction <minimumf>, %select_n3A_393, %reduce_min3A_394 [1] : vector<256x2048xf32> to vector<256xf32>
    %broadcast_in_dim3A_396 = vector.shape_cast %reduce_min3A_395 : vector<256xf32> to vector<256x1xf32>
    %eq3A_397 = vector.broadcast %broadcast_in_dim3A_396 : vector<256x1xf32> to vector<256x2048xf32>
    %eq3A_398 = arith.cmpf oeq, %select_n3A_393, %eq3A_397 : vector<256x2048xf32>
    %jit3A_399 = arith.constant 2048 : i32
    %broadcast_in_dim3A_400 = vector.broadcast %jit3A_399 : i32 to vector<256x2048xi32>
    %select_n3A_401 = arith.select %eq3A_398, %iota3A, %broadcast_in_dim3A_400 : vector<256x2048xi1>, vector<256x2048xi32>
    %reduce_min3A_402 = arith.constant dense<2147483647> : vector<256xi32>
    %reduce_min3A_403 = vector.multi_reduction <minsi>, %select_n3A_401, %reduce_min3A_402 [1] : vector<256x2048xi32> to vector<256xi32>
    %broadcast_in_dim3A_404 = vector.shape_cast %reduce_min3A_403 : vector<256xi32> to vector<256x1xi32>
    %add3A_405 = vector.broadcast %mul3A_25 : i32 to vector<256x1xi32>
    %add3A_406 = arith.addi %broadcast_in_dim3A_404, %add3A_405 : vector<256x1xi32>
    %swap3A_407 = arith.constant 0 : index
    %swap3A_408 = arith.constant 0 : index
    %swap3A_409 = arith.constant 17 : index
    %swap3A_410 = vector.load %arg4[%swap3A_407, %swap3A_408, %swap3A_409] : memref<1x256x32xi32, #tpu.memory_space<vmem>>, vector<1x256x1xi32>
    %swap3A_411 = vector.shape_cast %swap3A_410 : vector<1x256x1xi32> to vector<256x1xi32>
    %swap3A_412 = vector.shape_cast %add3A_406 : vector<256x1xi32> to vector<1x256x1xi32>
    tpu.vector_store %arg4[%swap3A_407, %swap3A_408, %swap3A_409], %swap3A_412 {strides = array<i32>} : memref<1x256x32xi32, #tpu.memory_space<vmem>>, vector<1x256x1xi32>,
    %jit3A_413 = arith.constant 0x7F800000 : f32
    %broadcast_in_dim3A_414 = vector.broadcast %jit3A_413 : f32 to vector<256x2048xf32>
    %select_n3A_415 = arith.select %eq3A_398, %broadcast_in_dim3A_414, %select_n3A_393 : vector<256x2048xi1>, vector<256x2048xf32>
    %reduce_min3A_416 = arith.constant dense<0x7F800000> : vector<256xf32>
    %reduce_min3A_417 = vector.multi_reduction <minimumf>, %select_n3A_415, %reduce_min3A_416 [1] : vector<256x2048xf32> to vector<256xf32>
    %broadcast_in_dim3A_418 = vector.shape_cast %reduce_min3A_417 : vector<256xf32> to vector<256x1xf32>
    %eq3A_419 = vector.broadcast %broadcast_in_dim3A_418 : vector<256x1xf32> to vector<256x2048xf32>
    %eq3A_420 = arith.cmpf oeq, %select_n3A_415, %eq3A_419 : vector<256x2048xf32>
    %jit3A_421 = arith.constant 2048 : i32
    %broadcast_in_dim3A_422 = vector.broadcast %jit3A_421 : i32 to vector<256x2048xi32>
    %select_n3A_423 = arith.select %eq3A_420, %iota3A, %broadcast_in_dim3A_422 : vector<256x2048xi1>, vector<256x2048xi32>
    %reduce_min3A_424 = arith.constant dense<2147483647> : vector<256xi32>
    %reduce_min3A_425 = vector.multi_reduction <minsi>, %select_n3A_423, %reduce_min3A_424 [1] : vector<256x2048xi32> to vector<256xi32>
    %broadcast_in_dim3A_426 = vector.shape_cast %reduce_min3A_425 : vector<256xi32> to vector<256x1xi32>
    %add3A_427 = vector.broadcast %mul3A_25 : i32 to vector<256x1xi32>
    %add3A_428 = arith.addi %broadcast_in_dim3A_426, %add3A_427 : vector<256x1xi32>
    %swap3A_429 = arith.constant 0 : index
    %swap3A_430 = arith.constant 0 : index
    %swap3A_431 = arith.constant 18 : index
    %swap3A_432 = vector.load %arg4[%swap3A_429, %swap3A_430, %swap3A_431] : memref<1x256x32xi32, #tpu.memory_space<vmem>>, vector<1x256x1xi32>
    %swap3A_433 = vector.shape_cast %swap3A_432 : vector<1x256x1xi32> to vector<256x1xi32>
    %swap3A_434 = vector.shape_cast %add3A_428 : vector<256x1xi32> to vector<1x256x1xi32>
    tpu.vector_store %arg4[%swap3A_429, %swap3A_430, %swap3A_431], %swap3A_434 {strides = array<i32>} : memref<1x256x32xi32, #tpu.memory_space<vmem>>, vector<1x256x1xi32>,
    %jit3A_435 = arith.constant 0x7F800000 : f32
    %broadcast_in_dim3A_436 = vector.broadcast %jit3A_435 : f32 to vector<256x2048xf32>
    %select_n3A_437 = arith.select %eq3A_420, %broadcast_in_dim3A_436, %select_n3A_415 : vector<256x2048xi1>, vector<256x2048xf32>
    %reduce_min3A_438 = arith.constant dense<0x7F800000> : vector<256xf32>
    %reduce_min3A_439 = vector.multi_reduction <minimumf>, %select_n3A_437, %reduce_min3A_438 [1] : vector<256x2048xf32> to vector<256xf32>
    %broadcast_in_dim3A_440 = vector.shape_cast %reduce_min3A_439 : vector<256xf32> to vector<256x1xf32>
    %eq3A_441 = vector.broadcast %broadcast_in_dim3A_440 : vector<256x1xf32> to vector<256x2048xf32>
    %eq3A_442 = arith.cmpf oeq, %select_n3A_437, %eq3A_441 : vector<256x2048xf32>
    %jit3A_443 = arith.constant 2048 : i32
    %broadcast_in_dim3A_444 = vector.broadcast %jit3A_443 : i32 to vector<256x2048xi32>
    %select_n3A_445 = arith.select %eq3A_442, %iota3A, %broadcast_in_dim3A_444 : vector<256x2048xi1>, vector<256x2048xi32>
    %reduce_min3A_446 = arith.constant dense<2147483647> : vector<256xi32>
    %reduce_min3A_447 = vector.multi_reduction <minsi>, %select_n3A_445, %reduce_min3A_446 [1] : vector<256x2048xi32> to vector<256xi32>
    %broadcast_in_dim3A_448 = vector.shape_cast %reduce_min3A_447 : vector<256xi32> to vector<256x1xi32>
    %add3A_449 = vector.broadcast %mul3A_25 : i32 to vector<256x1xi32>
    %add3A_450 = arith.addi %broadcast_in_dim3A_448, %add3A_449 : vector<256x1xi32>
    %swap3A_451 = arith.constant 0 : index
    %swap3A_452 = arith.constant 0 : index
    %swap3A_453 = arith.constant 19 : index
    %swap3A_454 = vector.load %arg4[%swap3A_451, %swap3A_452, %swap3A_453] : memref<1x256x32xi32, #tpu.memory_space<vmem>>, vector<1x256x1xi32>
    %swap3A_455 = vector.shape_cast %swap3A_454 : vector<1x256x1xi32> to vector<256x1xi32>
    %swap3A_456 = vector.shape_cast %add3A_450 : vector<256x1xi32> to vector<1x256x1xi32>
    tpu.vector_store %arg4[%swap3A_451, %swap3A_452, %swap3A_453], %swap3A_456 {strides = array<i32>} : memref<1x256x32xi32, #tpu.memory_space<vmem>>, vector<1x256x1xi32>,
    %jit3A_457 = arith.constant 0x7F800000 : f32
    %broadcast_in_dim3A_458 = vector.broadcast %jit3A_457 : f32 to vector<256x2048xf32>
    %select_n3A_459 = arith.select %eq3A_442, %broadcast_in_dim3A_458, %select_n3A_437 : vector<256x2048xi1>, vector<256x2048xf32>
    %reduce_min3A_460 = arith.constant dense<0x7F800000> : vector<256xf32>
    %reduce_min3A_461 = vector.multi_reduction <minimumf>, %select_n3A_459, %reduce_min3A_460 [1] : vector<256x2048xf32> to vector<256xf32>
    %broadcast_in_dim3A_462 = vector.shape_cast %reduce_min3A_461 : vector<256xf32> to vector<256x1xf32>
    %eq3A_463 = vector.broadcast %broadcast_in_dim3A_462 : vector<256x1xf32> to vector<256x2048xf32>
    %eq3A_464 = arith.cmpf oeq, %select_n3A_459, %eq3A_463 : vector<256x2048xf32>
    %jit3A_465 = arith.constant 2048 : i32
    %broadcast_in_dim3A_466 = vector.broadcast %jit3A_465 : i32 to vector<256x2048xi32>
    %select_n3A_467 = arith.select %eq3A_464, %iota3A, %broadcast_in_dim3A_466 : vector<256x2048xi1>, vector<256x2048xi32>
    %reduce_min3A_468 = arith.constant dense<2147483647> : vector<256xi32>
    %reduce_min3A_469 = vector.multi_reduction <minsi>, %select_n3A_467, %reduce_min3A_468 [1] : vector<256x2048xi32> to vector<256xi32>
    %broadcast_in_dim3A_470 = vector.shape_cast %reduce_min3A_469 : vector<256xi32> to vector<256x1xi32>
    %add3A_471 = vector.broadcast %mul3A_25 : i32 to vector<256x1xi32>
    %add3A_472 = arith.addi %broadcast_in_dim3A_470, %add3A_471 : vector<256x1xi32>
    %swap3A_473 = arith.constant 0 : index
    %swap3A_474 = arith.constant 0 : index
    %swap3A_475 = arith.constant 20 : index
    %swap3A_476 = vector.load %arg4[%swap3A_473, %swap3A_474, %swap3A_475] : memref<1x256x32xi32, #tpu.memory_space<vmem>>, vector<1x256x1xi32>
    %swap3A_477 = vector.shape_cast %swap3A_476 : vector<1x256x1xi32> to vector<256x1xi32>
    %swap3A_478 = vector.shape_cast %add3A_472 : vector<256x1xi32> to vector<1x256x1xi32>
    tpu.vector_store %arg4[%swap3A_473, %swap3A_474, %swap3A_475], %swap3A_478 {strides = array<i32>} : memref<1x256x32xi32, #tpu.memory_space<vmem>>, vector<1x256x1xi32>,
    %jit3A_479 = arith.constant 0x7F800000 : f32
    %broadcast_in_dim3A_480 = vector.broadcast %jit3A_479 : f32 to vector<256x2048xf32>
    %select_n3A_481 = arith.select %eq3A_464, %broadcast_in_dim3A_480, %select_n3A_459 : vector<256x2048xi1>, vector<256x2048xf32>
    %reduce_min3A_482 = arith.constant dense<0x7F800000> : vector<256xf32>
    %reduce_min3A_483 = vector.multi_reduction <minimumf>, %select_n3A_481, %reduce_min3A_482 [1] : vector<256x2048xf32> to vector<256xf32>
    %broadcast_in_dim3A_484 = vector.shape_cast %reduce_min3A_483 : vector<256xf32> to vector<256x1xf32>
    %eq3A_485 = vector.broadcast %broadcast_in_dim3A_484 : vector<256x1xf32> to vector<256x2048xf32>
    %eq3A_486 = arith.cmpf oeq, %select_n3A_481, %eq3A_485 : vector<256x2048xf32>
    %jit3A_487 = arith.constant 2048 : i32
    %broadcast_in_dim3A_488 = vector.broadcast %jit3A_487 : i32 to vector<256x2048xi32>
    %select_n3A_489 = arith.select %eq3A_486, %iota3A, %broadcast_in_dim3A_488 : vector<256x2048xi1>, vector<256x2048xi32>
    %reduce_min3A_490 = arith.constant dense<2147483647> : vector<256xi32>
    %reduce_min3A_491 = vector.multi_reduction <minsi>, %select_n3A_489, %reduce_min3A_490 [1] : vector<256x2048xi32> to vector<256xi32>
    %broadcast_in_dim3A_492 = vector.shape_cast %reduce_min3A_491 : vector<256xi32> to vector<256x1xi32>
    %add3A_493 = vector.broadcast %mul3A_25 : i32 to vector<256x1xi32>
    %add3A_494 = arith.addi %broadcast_in_dim3A_492, %add3A_493 : vector<256x1xi32>
    %swap3A_495 = arith.constant 0 : index
    %swap3A_496 = arith.constant 0 : index
    %swap3A_497 = arith.constant 21 : index
    %swap3A_498 = vector.load %arg4[%swap3A_495, %swap3A_496, %swap3A_497] : memref<1x256x32xi32, #tpu.memory_space<vmem>>, vector<1x256x1xi32>
    %swap3A_499 = vector.shape_cast %swap3A_498 : vector<1x256x1xi32> to vector<256x1xi32>
    %swap3A_500 = vector.shape_cast %add3A_494 : vector<256x1xi32> to vector<1x256x1xi32>
    tpu.vector_store %arg4[%swap3A_495, %swap3A_496, %swap3A_497], %swap3A_500 {strides = array<i32>} : memref<1x256x32xi32, #tpu.memory_space<vmem>>, vector<1x256x1xi32>,
    %jit3A_501 = arith.constant 0x7F800000 : f32
    %broadcast_in_dim3A_502 = vector.broadcast %jit3A_501 : f32 to vector<256x2048xf32>
    %select_n3A_503 = arith.select %eq3A_486, %broadcast_in_dim3A_502, %select_n3A_481 : vector<256x2048xi1>, vector<256x2048xf32>
    %reduce_min3A_504 = arith.constant dense<0x7F800000> : vector<256xf32>
    %reduce_min3A_505 = vector.multi_reduction <minimumf>, %select_n3A_503, %reduce_min3A_504 [1] : vector<256x2048xf32> to vector<256xf32>
    %broadcast_in_dim3A_506 = vector.shape_cast %reduce_min3A_505 : vector<256xf32> to vector<256x1xf32>
    %eq3A_507 = vector.broadcast %broadcast_in_dim3A_506 : vector<256x1xf32> to vector<256x2048xf32>
    %eq3A_508 = arith.cmpf oeq, %select_n3A_503, %eq3A_507 : vector<256x2048xf32>
    %jit3A_509 = arith.constant 2048 : i32
    %broadcast_in_dim3A_510 = vector.broadcast %jit3A_509 : i32 to vector<256x2048xi32>
    %select_n3A_511 = arith.select %eq3A_508, %iota3A, %broadcast_in_dim3A_510 : vector<256x2048xi1>, vector<256x2048xi32>
    %reduce_min3A_512 = arith.constant dense<2147483647> : vector<256xi32>
    %reduce_min3A_513 = vector.multi_reduction <minsi>, %select_n3A_511, %reduce_min3A_512 [1] : vector<256x2048xi32> to vector<256xi32>
    %broadcast_in_dim3A_514 = vector.shape_cast %reduce_min3A_513 : vector<256xi32> to vector<256x1xi32>
    %add3A_515 = vector.broadcast %mul3A_25 : i32 to vector<256x1xi32>
    %add3A_516 = arith.addi %broadcast_in_dim3A_514, %add3A_515 : vector<256x1xi32>
    %swap3A_517 = arith.constant 0 : index
    %swap3A_518 = arith.constant 0 : index
    %swap3A_519 = arith.constant 22 : index
    %swap3A_520 = vector.load %arg4[%swap3A_517, %swap3A_518, %swap3A_519] : memref<1x256x32xi32, #tpu.memory_space<vmem>>, vector<1x256x1xi32>
    %swap3A_521 = vector.shape_cast %swap3A_520 : vector<1x256x1xi32> to vector<256x1xi32>
    %swap3A_522 = vector.shape_cast %add3A_516 : vector<256x1xi32> to vector<1x256x1xi32>
    tpu.vector_store %arg4[%swap3A_517, %swap3A_518, %swap3A_519], %swap3A_522 {strides = array<i32>} : memref<1x256x32xi32, #tpu.memory_space<vmem>>, vector<1x256x1xi32>,
    %jit3A_523 = arith.constant 0x7F800000 : f32
    %broadcast_in_dim3A_524 = vector.broadcast %jit3A_523 : f32 to vector<256x2048xf32>
    %select_n3A_525 = arith.select %eq3A_508, %broadcast_in_dim3A_524, %select_n3A_503 : vector<256x2048xi1>, vector<256x2048xf32>
    %reduce_min3A_526 = arith.constant dense<0x7F800000> : vector<256xf32>
    %reduce_min3A_527 = vector.multi_reduction <minimumf>, %select_n3A_525, %reduce_min3A_526 [1] : vector<256x2048xf32> to vector<256xf32>
    %broadcast_in_dim3A_528 = vector.shape_cast %reduce_min3A_527 : vector<256xf32> to vector<256x1xf32>
    %eq3A_529 = vector.broadcast %broadcast_in_dim3A_528 : vector<256x1xf32> to vector<256x2048xf32>
    %eq3A_530 = arith.cmpf oeq, %select_n3A_525, %eq3A_529 : vector<256x2048xf32>
    %jit3A_531 = arith.constant 2048 : i32
    %broadcast_in_dim3A_532 = vector.broadcast %jit3A_531 : i32 to vector<256x2048xi32>
    %select_n3A_533 = arith.select %eq3A_530, %iota3A, %broadcast_in_dim3A_532 : vector<256x2048xi1>, vector<256x2048xi32>
    %reduce_min3A_534 = arith.constant dense<2147483647> : vector<256xi32>
    %reduce_min3A_535 = vector.multi_reduction <minsi>, %select_n3A_533, %reduce_min3A_534 [1] : vector<256x2048xi32> to vector<256xi32>
    %broadcast_in_dim3A_536 = vector.shape_cast %reduce_min3A_535 : vector<256xi32> to vector<256x1xi32>
    %add3A_537 = vector.broadcast %mul3A_25 : i32 to vector<256x1xi32>
    %add3A_538 = arith.addi %broadcast_in_dim3A_536, %add3A_537 : vector<256x1xi32>
    %swap3A_539 = arith.constant 0 : index
    %swap3A_540 = arith.constant 0 : index
    %swap3A_541 = arith.constant 23 : index
    %swap3A_542 = vector.load %arg4[%swap3A_539, %swap3A_540, %swap3A_541] : memref<1x256x32xi32, #tpu.memory_space<vmem>>, vector<1x256x1xi32>
    %swap3A_543 = vector.shape_cast %swap3A_542 : vector<1x256x1xi32> to vector<256x1xi32>
    %swap3A_544 = vector.shape_cast %add3A_538 : vector<256x1xi32> to vector<1x256x1xi32>
    tpu.vector_store %arg4[%swap3A_539, %swap3A_540, %swap3A_541], %swap3A_544 {strides = array<i32>} : memref<1x256x32xi32, #tpu.memory_space<vmem>>, vector<1x256x1xi32>,
    %jit3A_545 = arith.constant 0x7F800000 : f32
    %broadcast_in_dim3A_546 = vector.broadcast %jit3A_545 : f32 to vector<256x2048xf32>
    %select_n3A_547 = arith.select %eq3A_530, %broadcast_in_dim3A_546, %select_n3A_525 : vector<256x2048xi1>, vector<256x2048xf32>
    %reduce_min3A_548 = arith.constant dense<0x7F800000> : vector<256xf32>
    %reduce_min3A_549 = vector.multi_reduction <minimumf>, %select_n3A_547, %reduce_min3A_548 [1] : vector<256x2048xf32> to vector<256xf32>
    %broadcast_in_dim3A_550 = vector.shape_cast %reduce_min3A_549 : vector<256xf32> to vector<256x1xf32>
    %eq3A_551 = vector.broadcast %broadcast_in_dim3A_550 : vector<256x1xf32> to vector<256x2048xf32>
    %eq3A_552 = arith.cmpf oeq, %select_n3A_547, %eq3A_551 : vector<256x2048xf32>
    %jit3A_553 = arith.constant 2048 : i32
    %broadcast_in_dim3A_554 = vector.broadcast %jit3A_553 : i32 to vector<256x2048xi32>
    %select_n3A_555 = arith.select %eq3A_552, %iota3A, %broadcast_in_dim3A_554 : vector<256x2048xi1>, vector<256x2048xi32>
    %reduce_min3A_556 = arith.constant dense<2147483647> : vector<256xi32>
    %reduce_min3A_557 = vector.multi_reduction <minsi>, %select_n3A_555, %reduce_min3A_556 [1] : vector<256x2048xi32> to vector<256xi32>
    %broadcast_in_dim3A_558 = vector.shape_cast %reduce_min3A_557 : vector<256xi32> to vector<256x1xi32>
    %add3A_559 = vector.broadcast %mul3A_25 : i32 to vector<256x1xi32>
    %add3A_560 = arith.addi %broadcast_in_dim3A_558, %add3A_559 : vector<256x1xi32>
    %swap3A_561 = arith.constant 0 : index
    %swap3A_562 = arith.constant 0 : index
    %swap3A_563 = arith.constant 24 : index
    %swap3A_564 = vector.load %arg4[%swap3A_561, %swap3A_562, %swap3A_563] : memref<1x256x32xi32, #tpu.memory_space<vmem>>, vector<1x256x1xi32>
    %swap3A_565 = vector.shape_cast %swap3A_564 : vector<1x256x1xi32> to vector<256x1xi32>
    %swap3A_566 = vector.shape_cast %add3A_560 : vector<256x1xi32> to vector<1x256x1xi32>
    tpu.vector_store %arg4[%swap3A_561, %swap3A_562, %swap3A_563], %swap3A_566 {strides = array<i32>} : memref<1x256x32xi32, #tpu.memory_space<vmem>>, vector<1x256x1xi32>,
    %jit3A_567 = arith.constant 0x7F800000 : f32
    %broadcast_in_dim3A_568 = vector.broadcast %jit3A_567 : f32 to vector<256x2048xf32>
    %select_n3A_569 = arith.select %eq3A_552, %broadcast_in_dim3A_568, %select_n3A_547 : vector<256x2048xi1>, vector<256x2048xf32>
    %reduce_min3A_570 = arith.constant dense<0x7F800000> : vector<256xf32>
    %reduce_min3A_571 = vector.multi_reduction <minimumf>, %select_n3A_569, %reduce_min3A_570 [1] : vector<256x2048xf32> to vector<256xf32>
    %broadcast_in_dim3A_572 = vector.shape_cast %reduce_min3A_571 : vector<256xf32> to vector<256x1xf32>
    %eq3A_573 = vector.broadcast %broadcast_in_dim3A_572 : vector<256x1xf32> to vector<256x2048xf32>
    %eq3A_574 = arith.cmpf oeq, %select_n3A_569, %eq3A_573 : vector<256x2048xf32>
    %jit3A_575 = arith.constant 2048 : i32
    %broadcast_in_dim3A_576 = vector.broadcast %jit3A_575 : i32 to vector<256x2048xi32>
    %select_n3A_577 = arith.select %eq3A_574, %iota3A, %broadcast_in_dim3A_576 : vector<256x2048xi1>, vector<256x2048xi32>
    %reduce_min3A_578 = arith.constant dense<2147483647> : vector<256xi32>
    %reduce_min3A_579 = vector.multi_reduction <minsi>, %select_n3A_577, %reduce_min3A_578 [1] : vector<256x2048xi32> to vector<256xi32>
    %broadcast_in_dim3A_580 = vector.shape_cast %reduce_min3A_579 : vector<256xi32> to vector<256x1xi32>
    %add3A_581 = vector.broadcast %mul3A_25 : i32 to vector<256x1xi32>
    %add3A_582 = arith.addi %broadcast_in_dim3A_580, %add3A_581 : vector<256x1xi32>
    %swap3A_583 = arith.constant 0 : index
    %swap3A_584 = arith.constant 0 : index
    %swap3A_585 = arith.constant 25 : index
    %swap3A_586 = vector.load %arg4[%swap3A_583, %swap3A_584, %swap3A_585] : memref<1x256x32xi32, #tpu.memory_space<vmem>>, vector<1x256x1xi32>
    %swap3A_587 = vector.shape_cast %swap3A_586 : vector<1x256x1xi32> to vector<256x1xi32>
    %swap3A_588 = vector.shape_cast %add3A_582 : vector<256x1xi32> to vector<1x256x1xi32>
    tpu.vector_store %arg4[%swap3A_583, %swap3A_584, %swap3A_585], %swap3A_588 {strides = array<i32>} : memref<1x256x32xi32, #tpu.memory_space<vmem>>, vector<1x256x1xi32>,
    %jit3A_589 = arith.constant 0x7F800000 : f32
    %broadcast_in_dim3A_590 = vector.broadcast %jit3A_589 : f32 to vector<256x2048xf32>
    %select_n3A_591 = arith.select %eq3A_574, %broadcast_in_dim3A_590, %select_n3A_569 : vector<256x2048xi1>, vector<256x2048xf32>
    %reduce_min3A_592 = arith.constant dense<0x7F800000> : vector<256xf32>
    %reduce_min3A_593 = vector.multi_reduction <minimumf>, %select_n3A_591, %reduce_min3A_592 [1] : vector<256x2048xf32> to vector<256xf32>
    %broadcast_in_dim3A_594 = vector.shape_cast %reduce_min3A_593 : vector<256xf32> to vector<256x1xf32>
    %eq3A_595 = vector.broadcast %broadcast_in_dim3A_594 : vector<256x1xf32> to vector<256x2048xf32>
    %eq3A_596 = arith.cmpf oeq, %select_n3A_591, %eq3A_595 : vector<256x2048xf32>
    %jit3A_597 = arith.constant 2048 : i32
    %broadcast_in_dim3A_598 = vector.broadcast %jit3A_597 : i32 to vector<256x2048xi32>
    %select_n3A_599 = arith.select %eq3A_596, %iota3A, %broadcast_in_dim3A_598 : vector<256x2048xi1>, vector<256x2048xi32>
    %reduce_min3A_600 = arith.constant dense<2147483647> : vector<256xi32>
    %reduce_min3A_601 = vector.multi_reduction <minsi>, %select_n3A_599, %reduce_min3A_600 [1] : vector<256x2048xi32> to vector<256xi32>
    %broadcast_in_dim3A_602 = vector.shape_cast %reduce_min3A_601 : vector<256xi32> to vector<256x1xi32>
    %add3A_603 = vector.broadcast %mul3A_25 : i32 to vector<256x1xi32>
    %add3A_604 = arith.addi %broadcast_in_dim3A_602, %add3A_603 : vector<256x1xi32>
    %swap3A_605 = arith.constant 0 : index
    %swap3A_606 = arith.constant 0 : index
    %swap3A_607 = arith.constant 26 : index
    %swap3A_608 = vector.load %arg4[%swap3A_605, %swap3A_606, %swap3A_607] : memref<1x256x32xi32, #tpu.memory_space<vmem>>, vector<1x256x1xi32>
    %swap3A_609 = vector.shape_cast %swap3A_608 : vector<1x256x1xi32> to vector<256x1xi32>
    %swap3A_610 = vector.shape_cast %add3A_604 : vector<256x1xi32> to vector<1x256x1xi32>
    tpu.vector_store %arg4[%swap3A_605, %swap3A_606, %swap3A_607], %swap3A_610 {strides = array<i32>} : memref<1x256x32xi32, #tpu.memory_space<vmem>>, vector<1x256x1xi32>,
    %jit3A_611 = arith.constant 0x7F800000 : f32
    %broadcast_in_dim3A_612 = vector.broadcast %jit3A_611 : f32 to vector<256x2048xf32>
    %select_n3A_613 = arith.select %eq3A_596, %broadcast_in_dim3A_612, %select_n3A_591 : vector<256x2048xi1>, vector<256x2048xf32>
    %reduce_min3A_614 = arith.constant dense<0x7F800000> : vector<256xf32>
    %reduce_min3A_615 = vector.multi_reduction <minimumf>, %select_n3A_613, %reduce_min3A_614 [1] : vector<256x2048xf32> to vector<256xf32>
    %broadcast_in_dim3A_616 = vector.shape_cast %reduce_min3A_615 : vector<256xf32> to vector<256x1xf32>
    %eq3A_617 = vector.broadcast %broadcast_in_dim3A_616 : vector<256x1xf32> to vector<256x2048xf32>
    %eq3A_618 = arith.cmpf oeq, %select_n3A_613, %eq3A_617 : vector<256x2048xf32>
    %jit3A_619 = arith.constant 2048 : i32
    %broadcast_in_dim3A_620 = vector.broadcast %jit3A_619 : i32 to vector<256x2048xi32>
    %select_n3A_621 = arith.select %eq3A_618, %iota3A, %broadcast_in_dim3A_620 : vector<256x2048xi1>, vector<256x2048xi32>
    %reduce_min3A_622 = arith.constant dense<2147483647> : vector<256xi32>
    %reduce_min3A_623 = vector.multi_reduction <minsi>, %select_n3A_621, %reduce_min3A_622 [1] : vector<256x2048xi32> to vector<256xi32>
    %broadcast_in_dim3A_624 = vector.shape_cast %reduce_min3A_623 : vector<256xi32> to vector<256x1xi32>
    %add3A_625 = vector.broadcast %mul3A_25 : i32 to vector<256x1xi32>
    %add3A_626 = arith.addi %broadcast_in_dim3A_624, %add3A_625 : vector<256x1xi32>
    %swap3A_627 = arith.constant 0 : index
    %swap3A_628 = arith.constant 0 : index
    %swap3A_629 = arith.constant 27 : index
    %swap3A_630 = vector.load %arg4[%swap3A_627, %swap3A_628, %swap3A_629] : memref<1x256x32xi32, #tpu.memory_space<vmem>>, vector<1x256x1xi32>
    %swap3A_631 = vector.shape_cast %swap3A_630 : vector<1x256x1xi32> to vector<256x1xi32>
    %swap3A_632 = vector.shape_cast %add3A_626 : vector<256x1xi32> to vector<1x256x1xi32>
    tpu.vector_store %arg4[%swap3A_627, %swap3A_628, %swap3A_629], %swap3A_632 {strides = array<i32>} : memref<1x256x32xi32, #tpu.memory_space<vmem>>, vector<1x256x1xi32>,
    %jit3A_633 = arith.constant 0x7F800000 : f32
    %broadcast_in_dim3A_634 = vector.broadcast %jit3A_633 : f32 to vector<256x2048xf32>
    %select_n3A_635 = arith.select %eq3A_618, %broadcast_in_dim3A_634, %select_n3A_613 : vector<256x2048xi1>, vector<256x2048xf32>
    %reduce_min3A_636 = arith.constant dense<0x7F800000> : vector<256xf32>
    %reduce_min3A_637 = vector.multi_reduction <minimumf>, %select_n3A_635, %reduce_min3A_636 [1] : vector<256x2048xf32> to vector<256xf32>
    %broadcast_in_dim3A_638 = vector.shape_cast %reduce_min3A_637 : vector<256xf32> to vector<256x1xf32>
    %eq3A_639 = vector.broadcast %broadcast_in_dim3A_638 : vector<256x1xf32> to vector<256x2048xf32>
    %eq3A_640 = arith.cmpf oeq, %select_n3A_635, %eq3A_639 : vector<256x2048xf32>
    %jit3A_641 = arith.constant 2048 : i32
    %broadcast_in_dim3A_642 = vector.broadcast %jit3A_641 : i32 to vector<256x2048xi32>
    %select_n3A_643 = arith.select %eq3A_640, %iota3A, %broadcast_in_dim3A_642 : vector<256x2048xi1>, vector<256x2048xi32>
    %reduce_min3A_644 = arith.constant dense<2147483647> : vector<256xi32>
    %reduce_min3A_645 = vector.multi_reduction <minsi>, %select_n3A_643, %reduce_min3A_644 [1] : vector<256x2048xi32> to vector<256xi32>
    %broadcast_in_dim3A_646 = vector.shape_cast %reduce_min3A_645 : vector<256xi32> to vector<256x1xi32>
    %add3A_647 = vector.broadcast %mul3A_25 : i32 to vector<256x1xi32>
    %add3A_648 = arith.addi %broadcast_in_dim3A_646, %add3A_647 : vector<256x1xi32>
    %swap3A_649 = arith.constant 0 : index
    %swap3A_650 = arith.constant 0 : index
    %swap3A_651 = arith.constant 28 : index
    %swap3A_652 = vector.load %arg4[%swap3A_649, %swap3A_650, %swap3A_651] : memref<1x256x32xi32, #tpu.memory_space<vmem>>, vector<1x256x1xi32>
    %swap3A_653 = vector.shape_cast %swap3A_652 : vector<1x256x1xi32> to vector<256x1xi32>
    %swap3A_654 = vector.shape_cast %add3A_648 : vector<256x1xi32> to vector<1x256x1xi32>
    tpu.vector_store %arg4[%swap3A_649, %swap3A_650, %swap3A_651], %swap3A_654 {strides = array<i32>} : memref<1x256x32xi32, #tpu.memory_space<vmem>>, vector<1x256x1xi32>,
    %jit3A_655 = arith.constant 0x7F800000 : f32
    %broadcast_in_dim3A_656 = vector.broadcast %jit3A_655 : f32 to vector<256x2048xf32>
    %select_n3A_657 = arith.select %eq3A_640, %broadcast_in_dim3A_656, %select_n3A_635 : vector<256x2048xi1>, vector<256x2048xf32>
    %reduce_min3A_658 = arith.constant dense<0x7F800000> : vector<256xf32>
    %reduce_min3A_659 = vector.multi_reduction <minimumf>, %select_n3A_657, %reduce_min3A_658 [1] : vector<256x2048xf32> to vector<256xf32>
    %broadcast_in_dim3A_660 = vector.shape_cast %reduce_min3A_659 : vector<256xf32> to vector<256x1xf32>
    %eq3A_661 = vector.broadcast %broadcast_in_dim3A_660 : vector<256x1xf32> to vector<256x2048xf32>
    %eq3A_662 = arith.cmpf oeq, %select_n3A_657, %eq3A_661 : vector<256x2048xf32>
    %jit3A_663 = arith.constant 2048 : i32
    %broadcast_in_dim3A_664 = vector.broadcast %jit3A_663 : i32 to vector<256x2048xi32>
    %select_n3A_665 = arith.select %eq3A_662, %iota3A, %broadcast_in_dim3A_664 : vector<256x2048xi1>, vector<256x2048xi32>
    %reduce_min3A_666 = arith.constant dense<2147483647> : vector<256xi32>
    %reduce_min3A_667 = vector.multi_reduction <minsi>, %select_n3A_665, %reduce_min3A_666 [1] : vector<256x2048xi32> to vector<256xi32>
    %broadcast_in_dim3A_668 = vector.shape_cast %reduce_min3A_667 : vector<256xi32> to vector<256x1xi32>
    %add3A_669 = vector.broadcast %mul3A_25 : i32 to vector<256x1xi32>
    %add3A_670 = arith.addi %broadcast_in_dim3A_668, %add3A_669 : vector<256x1xi32>
    %swap3A_671 = arith.constant 0 : index
    %swap3A_672 = arith.constant 0 : index
    %swap3A_673 = arith.constant 29 : index
    %swap3A_674 = vector.load %arg4[%swap3A_671, %swap3A_672, %swap3A_673] : memref<1x256x32xi32, #tpu.memory_space<vmem>>, vector<1x256x1xi32>
    %swap3A_675 = vector.shape_cast %swap3A_674 : vector<1x256x1xi32> to vector<256x1xi32>
    %swap3A_676 = vector.shape_cast %add3A_670 : vector<256x1xi32> to vector<1x256x1xi32>
    tpu.vector_store %arg4[%swap3A_671, %swap3A_672, %swap3A_673], %swap3A_676 {strides = array<i32>} : memref<1x256x32xi32, #tpu.memory_space<vmem>>, vector<1x256x1xi32>,
    %jit3A_677 = arith.constant 0x7F800000 : f32
    %broadcast_in_dim3A_678 = vector.broadcast %jit3A_677 : f32 to vector<256x2048xf32>
    %select_n3A_679 = arith.select %eq3A_662, %broadcast_in_dim3A_678, %select_n3A_657 : vector<256x2048xi1>, vector<256x2048xf32>
    %reduce_min3A_680 = arith.constant dense<0x7F800000> : vector<256xf32>
    %reduce_min3A_681 = vector.multi_reduction <minimumf>, %select_n3A_679, %reduce_min3A_680 [1] : vector<256x2048xf32> to vector<256xf32>
    %broadcast_in_dim3A_682 = vector.shape_cast %reduce_min3A_681 : vector<256xf32> to vector<256x1xf32>
    %eq3A_683 = vector.broadcast %broadcast_in_dim3A_682 : vector<256x1xf32> to vector<256x2048xf32>
    %eq3A_684 = arith.cmpf oeq, %select_n3A_679, %eq3A_683 : vector<256x2048xf32>
    %jit3A_685 = arith.constant 2048 : i32
    %broadcast_in_dim3A_686 = vector.broadcast %jit3A_685 : i32 to vector<256x2048xi32>
    %select_n3A_687 = arith.select %eq3A_684, %iota3A, %broadcast_in_dim3A_686 : vector<256x2048xi1>, vector<256x2048xi32>
    %reduce_min3A_688 = arith.constant dense<2147483647> : vector<256xi32>
    %reduce_min3A_689 = vector.multi_reduction <minsi>, %select_n3A_687, %reduce_min3A_688 [1] : vector<256x2048xi32> to vector<256xi32>
    %broadcast_in_dim3A_690 = vector.shape_cast %reduce_min3A_689 : vector<256xi32> to vector<256x1xi32>
    %add3A_691 = vector.broadcast %mul3A_25 : i32 to vector<256x1xi32>
    %add3A_692 = arith.addi %broadcast_in_dim3A_690, %add3A_691 : vector<256x1xi32>
    %swap3A_693 = arith.constant 0 : index
    %swap3A_694 = arith.constant 0 : index
    %swap3A_695 = arith.constant 30 : index
    %swap3A_696 = vector.load %arg4[%swap3A_693, %swap3A_694, %swap3A_695] : memref<1x256x32xi32, #tpu.memory_space<vmem>>, vector<1x256x1xi32>
    %swap3A_697 = vector.shape_cast %swap3A_696 : vector<1x256x1xi32> to vector<256x1xi32>
    %swap3A_698 = vector.shape_cast %add3A_692 : vector<256x1xi32> to vector<1x256x1xi32>
    tpu.vector_store %arg4[%swap3A_693, %swap3A_694, %swap3A_695], %swap3A_698 {strides = array<i32>} : memref<1x256x32xi32, #tpu.memory_space<vmem>>, vector<1x256x1xi32>,
    %jit3A_699 = arith.constant 0x7F800000 : f32
    %broadcast_in_dim3A_700 = vector.broadcast %jit3A_699 : f32 to vector<256x2048xf32>
    %select_n3A_701 = arith.select %eq3A_684, %broadcast_in_dim3A_700, %select_n3A_679 : vector<256x2048xi1>, vector<256x2048xf32>
    %reduce_min3A_702 = arith.constant dense<0x7F800000> : vector<256xf32>
    %reduce_min3A_703 = vector.multi_reduction <minimumf>, %select_n3A_701, %reduce_min3A_702 [1] : vector<256x2048xf32> to vector<256xf32>
    %broadcast_in_dim3A_704 = vector.shape_cast %reduce_min3A_703 : vector<256xf32> to vector<256x1xf32>
    %eq3A_705 = vector.broadcast %broadcast_in_dim3A_704 : vector<256x1xf32> to vector<256x2048xf32>
    %eq3A_706 = arith.cmpf oeq, %select_n3A_701, %eq3A_705 : vector<256x2048xf32>
    %jit3A_707 = arith.constant 2048 : i32
    %broadcast_in_dim3A_708 = vector.broadcast %jit3A_707 : i32 to vector<256x2048xi32>
    %select_n3A_709 = arith.select %eq3A_706, %iota3A, %broadcast_in_dim3A_708 : vector<256x2048xi1>, vector<256x2048xi32>
    %reduce_min3A_710 = arith.constant dense<2147483647> : vector<256xi32>
    %reduce_min3A_711 = vector.multi_reduction <minsi>, %select_n3A_709, %reduce_min3A_710 [1] : vector<256x2048xi32> to vector<256xi32>
    %broadcast_in_dim3A_712 = vector.shape_cast %reduce_min3A_711 : vector<256xi32> to vector<256x1xi32>
    %add3A_713 = vector.broadcast %mul3A_25 : i32 to vector<256x1xi32>
    %add3A_714 = arith.addi %broadcast_in_dim3A_712, %add3A_713 : vector<256x1xi32>
    %swap3A_715 = arith.constant 0 : index
    %swap3A_716 = arith.constant 0 : index
    %swap3A_717 = arith.constant 31 : index
    %swap3A_718 = vector.load %arg4[%swap3A_715, %swap3A_716, %swap3A_717] : memref<1x256x32xi32, #tpu.memory_space<vmem>>, vector<1x256x1xi32>
    %swap3A_719 = vector.shape_cast %swap3A_718 : vector<1x256x1xi32> to vector<256x1xi32>
    %swap3A_720 = vector.shape_cast %add3A_714 : vector<256x1xi32> to vector<1x256x1xi32>
    tpu.vector_store %arg4[%swap3A_715, %swap3A_716, %swap3A_717], %swap3A_720 {strides = array<i32>} : memref<1x256x32xi32, #tpu.memory_space<vmem>>, vector<1x256x1xi32>,
    return
  }
  func.func @transform_0(%arg0: i32, %arg1: i32) -> (i32, i32, i32) {
    %c0_i32 = arith.constant 0 : i32
    %c0_i32_0 = arith.constant 0 : i32
    return %arg0, %arg1, %c0_i32 : i32, i32, i32
  }
  func.func @transform_1(%arg0: i32, %arg1: i32) -> (i32, i32, i32) {
    %c0_i32 = arith.constant 0 : i32
    %c0_i32_0 = arith.constant 0 : i32
    %c0_i32_1 = arith.constant 0 : i32
    return %arg0, %c0_i32, %c0_i32_0 : i32, i32, i32
  }
  func.func @transform_2(%arg0: i32, %arg1: i32) -> (i32, i32, i32) {
    %c0_i32 = arith.constant 0 : i32
    %c0_i32_0 = arith.constant 0 : i32
    return %arg0, %arg1, %c0_i32 : i32, i32, i32
  }
}

module attributes {stable_mosaic.version = 14 : i64} {
  func.func @_qkv_body(%arg0: i32, %arg1: memref<256x512xf32, #tpu.memory_space<vmem>>, %arg2: memref<512x1536xf32, #tpu.memory_space<vmem>>, %arg3: memref<256x16xf32, #tpu.memory_space<vmem>>, %arg4: memref<256x512xf32, #tpu.memory_space<vmem>>, %arg5: memref<256x512xi32, #tpu.memory_space<vmem>>, %arg6: memref<256x128xf32, #tpu.memory_space<vmem>>) attributes {dimension_semantics = [#tpu.dimension_semantics<arbitrary>], iteration_bounds = array<i64: 16>, scalar_prefetch = 0 : i64, scratch_operands = 0 : i64, tpu.core_type = #tpu.core_type<tc>, window_params = [{transform_indices = @transform_0, window_bounds = array<i64: 256, 512>}, {pipeline_mode = #tpu.pipeline_mode<synchronous>, transform_indices = @transform_1, window_bounds = array<i64: 512, 1536>}, {transform_indices = @transform_2, window_bounds = array<i64: 256, 16>}, {transform_indices = @transform_3, window_bounds = array<i64: 256, 512>}, {transform_indices = @transform_4, window_bounds = array<i64: 256, 512>}, {transform_indices = @transform_5, window_bounds = array<i64: 256, 128>}]} {
    %get3A = arith.constant 0 : index
    %get3A_0 = arith.constant 0 : index
    %get3A_1 = vector.load %arg1[%get3A, %get3A_0] : memref<256x512xf32, #tpu.memory_space<vmem>>, vector<256x512xf32>
    %get3A_2 = arith.constant 0 : index
    %get3A_3 = arith.constant 0 : index
    %get3A_4 = vector.load %arg2[%get3A_2, %get3A_3] : memref<512x1536xf32, #tpu.memory_space<vmem>>, vector<512x1536xf32>
    %dot_general3A = arith.constant dense<0.000000e+00> : vector<256x1536xf32>
    %dot_general3A_5 = tpu.matmul %get3A_1, %get3A_4, %dot_general3A {dimension_numbers = #tpu.dot_dimension_numbers<[1], [0], [0], [1], [0, 0, 1, 1], [], []>, transpose_lhs_hint = false} : vector<256x512xf32>, vector<512x1536xf32>, vector<256x1536xf32> -> vector<256x1536xf32>
    %slice3A = vector.extract_strided_slice %dot_general3A_5 {offsets = [0, 0], sizes = [256, 512], strides = [1, 1]} : vector<256x1536xf32> to vector<256x512xf32>
    %swap3A = arith.constant 0 : index
    %swap3A_6 = arith.constant 0 : index
    %swap3A_7 = vector.load %arg4[%swap3A, %swap3A_6] : memref<256x512xf32, #tpu.memory_space<vmem>>, vector<256x512xf32>
    tpu.vector_store %arg4[%swap3A, %swap3A_6], %slice3A {strides = array<i32>} : memref<256x512xf32, #tpu.memory_space<vmem>>, vector<256x512xf32>,
    %slice3A_8 = vector.extract_strided_slice %dot_general3A_5 {offsets = [0, 512], sizes = [256, 512], strides = [1, 1]} : vector<256x1536xf32> to vector<256x512xf32>
    %convert_element_type3A = arith.truncf %slice3A_8 : vector<256x512xf32> to vector<256x512xbf16>
    %convert_element_type3A_9 = arith.extf %convert_element_type3A : vector<256x512xbf16> to vector<256x512xf32>
    %slice3A_10 = vector.extract_strided_slice %dot_general3A_5 {offsets = [0, 1024], sizes = [256, 512], strides = [1, 1]} : vector<256x1536xf32> to vector<256x512xf32>
    %convert_element_type3A_11 = arith.truncf %slice3A_10 : vector<256x512xf32> to vector<256x512xbf16>
    %convert_element_type3A_12 = arith.extf %convert_element_type3A_11 : vector<256x512xbf16> to vector<256x512xf32>
    %bitcast_convert_type3A = tpu.bitcast %convert_element_type3A_9 : vector<256x512xf32> -> vector<256x512xi32>
    %shift_right_logical3A = arith.constant 16 : i32
    %shift_right_logical3A_13 = vector.broadcast %shift_right_logical3A : i32 to vector<256x512xi32>
    %shift_right_logical3A_14 = arith.shrui %bitcast_convert_type3A, %shift_right_logical3A_13 : vector<256x512xi32>
    %bitcast_convert_type3A_15 = tpu.bitcast %convert_element_type3A_12 : vector<256x512xf32> -> vector<256x512xi32>
    %and3A = arith.constant -65536 : i32
    %and3A_16 = vector.broadcast %and3A : i32 to vector<256x512xi32>
    %and3A_17 = arith.andi %bitcast_convert_type3A_15, %and3A_16 : vector<256x512xi32>
    %or3A = arith.ori %shift_right_logical3A_14, %and3A_17 : vector<256x512xi32>
    %bitcast_convert_type3A_18 = tpu.bitcast %or3A : vector<256x512xi32> -> vector<256x512xi32>
    %swap3A_19 = arith.constant 0 : index
    %swap3A_20 = arith.constant 0 : index
    %swap3A_21 = vector.load %arg5[%swap3A_19, %swap3A_20] : memref<256x512xi32, #tpu.memory_space<vmem>>, vector<256x512xi32>
    tpu.vector_store %arg5[%swap3A_19, %swap3A_20], %bitcast_convert_type3A_18 {strides = array<i32>} : memref<256x512xi32, #tpu.memory_space<vmem>>, vector<256x512xi32>,
    %get3A_22 = arith.constant 0 : index
    %get3A_23 = arith.constant 0 : index
    %get3A_24 = vector.load %arg3[%get3A_22, %get3A_23] : memref<256x16xf32, #tpu.memory_space<vmem>>, vector<256x16xf32>
    %jit3A = arith.constant 0 : i32
    %convert_element_type3A_25 = arith.sitofp %jit3A : i32 to f32
    %pad3A = vector.broadcast %convert_element_type3A_25 : f32 to vector<256x112xf32>
    %pad3A_26 = tpu.concatenate %get3A_24, %pad3A in 1 : vector<256x16xf32>, vector<256x112xf32> -> vector<256x128xf32>
    %swap3A_27 = arith.constant 0 : index
    %swap3A_28 = arith.constant 0 : index
    %swap3A_29 = vector.load %arg6[%swap3A_27, %swap3A_28] : memref<256x128xf32, #tpu.memory_space<vmem>>, vector<256x128xf32>
    tpu.vector_store %arg6[%swap3A_27, %swap3A_28], %pad3A_26 {strides = array<i32>} : memref<256x128xf32, #tpu.memory_space<vmem>>, vector<256x128xf32>,
    return
  }
  func.func @transform_0(%arg0: i32) -> (i32, i32) {
    %c0_i32 = arith.constant 0 : i32
    %c0_i32_0 = arith.constant 0 : i32
    return %arg0, %c0_i32 : i32, i32
  }
  func.func @transform_1(%arg0: i32) -> (i32, i32) {
    %c0_i32 = arith.constant 0 : i32
    %c0_i32_0 = arith.constant 0 : i32
    %c0_i32_1 = arith.constant 0 : i32
    return %c0_i32, %c0_i32_0 : i32, i32
  }
  func.func @transform_2(%arg0: i32) -> (i32, i32) {
    %c0_i32 = arith.constant 0 : i32
    %c0_i32_0 = arith.constant 0 : i32
    return %arg0, %c0_i32 : i32, i32
  }
  func.func @transform_3(%arg0: i32) -> (i32, i32) {
    %c0_i32 = arith.constant 0 : i32
    %c0_i32_0 = arith.constant 0 : i32
    return %arg0, %c0_i32 : i32, i32
  }
  func.func @transform_4(%arg0: i32) -> (i32, i32) {
    %c0_i32 = arith.constant 0 : i32
    %c0_i32_0 = arith.constant 0 : i32
    return %arg0, %c0_i32 : i32, i32
  }
  func.func @transform_5(%arg0: i32) -> (i32, i32) {
    %c0_i32 = arith.constant 0 : i32
    %c0_i32_0 = arith.constant 0 : i32
    return %arg0, %c0_i32 : i32, i32
  }
}

module attributes {stable_mosaic.version = 14 : i64} {
  func.func @_attn_body(%arg0: i32, %arg1: memref<64x512xf32, #tpu.memory_space<vmem>>, %arg2: memref<2048x512xi32, #tpu.memory_space<vmem>>, %arg3: memref<2048x128xf32, #tpu.memory_space<vmem>>, %arg4: memref<64x16xf32, #tpu.memory_space<vmem>>, %arg5: memref<512x512xf32, #tpu.memory_space<vmem>>, %arg6: memref<1x512xf32, #tpu.memory_space<vmem>>, %arg7: memref<8x16xf32, #tpu.memory_space<vmem>>, %arg8: memref<1x16xf32, #tpu.memory_space<vmem>>, %arg9: memref<16x8xf32, #tpu.memory_space<vmem>>, %arg10: memref<1x8xf32, #tpu.memory_space<vmem>>, %arg11: memref<8x8xf32, #tpu.memory_space<vmem>>, %arg12: memref<1x8xf32, #tpu.memory_space<vmem>>, %arg13: memref<1x1xf32, #tpu.memory_space<vmem>>, %arg14: memref<1x8xf32, #tpu.memory_space<vmem>>, %arg15: memref<64x512xf32, #tpu.memory_space<vmem>>, %arg16: memref<64x3xf32, #tpu.memory_space<vmem>>) attributes {dimension_semantics = [#tpu.dimension_semantics<arbitrary>], iteration_bounds = array<i64: 64>, scalar_prefetch = 0 : i64, scratch_operands = 0 : i64, tpu.core_type = #tpu.core_type<tc>, window_params = [{transform_indices = @transform_0, window_bounds = array<i64: 64, 512>}, {transform_indices = @transform_1, window_bounds = array<i64: 2048, 512>}, {transform_indices = @transform_2, window_bounds = array<i64: 2048, 128>}, {transform_indices = @transform_3, window_bounds = array<i64: 64, 16>}, {pipeline_mode = #tpu.pipeline_mode<synchronous>, transform_indices = @transform_4, window_bounds = array<i64: 512, 512>}, {pipeline_mode = #tpu.pipeline_mode<synchronous>, transform_indices = @transform_5, window_bounds = array<i64: 1, 512>}, {pipeline_mode = #tpu.pipeline_mode<synchronous>, transform_indices = @transform_6, window_bounds = array<i64: 8, 16>}, {pipeline_mode = #tpu.pipeline_mode<synchronous>, transform_indices = @transform_7, window_bounds = array<i64: 1, 16>}, {pipeline_mode = #tpu.pipeline_mode<synchronous>, transform_indices = @transform_8, window_bounds = array<i64: 16, 8>}, {pipeline_mode = #tpu.pipeline_mode<synchronous>, transform_indices = @transform_9, window_bounds = array<i64: 1, 8>}, {pipeline_mode = #tpu.pipeline_mode<synchronous>, transform_indices = @transform_10, window_bounds = array<i64: 8, 8>}, {pipeline_mode = #tpu.pipeline_mode<synchronous>, transform_indices = @transform_11, window_bounds = array<i64: 1, 8>}, {pipeline_mode = #tpu.pipeline_mode<synchronous>, transform_indices = @transform_12, window_bounds = array<i64: 1, 1>}, {pipeline_mode = #tpu.pipeline_mode<synchronous>, transform_indices = @transform_13, window_bounds = array<i64: 1, 8>}, {transform_indices = @transform_14, window_bounds = array<i64: 64, 512>}, {transform_indices = @transform_15, window_bounds = array<i64: 64, 3>}]} {
    %get3A = arith.constant 0 : index
    %get3A_0 = arith.constant 0 : index
    %get3A_1 = vector.load %arg2[%get3A, %get3A_0] : memref<2048x512xi32, #tpu.memory_space<vmem>>, vector<2048x512xi32>
    %bitcast_convert_type3A = tpu.bitcast %get3A_1 : vector<2048x512xi32> -> vector<2048x512xi32>
    %broadcast_in_dim3A = arith.constant 16 : i32
    %broadcast_in_dim3A_2 = vector.broadcast %broadcast_in_dim3A : i32 to vector<2048x512xi32>
    %shift_left3A = arith.shli %bitcast_convert_type3A, %broadcast_in_dim3A_2 : vector<2048x512xi32>
    %bitcast_convert_type3A_3 = tpu.bitcast %shift_left3A : vector<2048x512xi32> -> vector<2048x512xf32>
    %and3A = arith.constant -65536 : i32
    %and3A_4 = vector.broadcast %and3A : i32 to vector<2048x512xi32>
    %and3A_5 = arith.andi %bitcast_convert_type3A, %and3A_4 : vector<2048x512xi32>
    %bitcast_convert_type3A_6 = tpu.bitcast %and3A_5 : vector<2048x512xi32> -> vector<2048x512xf32>
    %get3A_7 = arith.constant 0 : index
    %get3A_8 = arith.constant 0 : index
    %get3A_9 = vector.load %arg3[%get3A_7, %get3A_8] : memref<2048x128xf32, #tpu.memory_space<vmem>>, vector<2048x16xf32>
    %get3A_10 = arith.constant 0 : index
    %get3A_11 = arith.constant 0 : index
    %get3A_12 = vector.load %arg4[%get3A_10, %get3A_11] : memref<64x16xf32, #tpu.memory_space<vmem>>, vector<64x16xf32>
    %broadcast_in_dim3A_13 = vector.shape_cast %get3A_12 : vector<64x16xf32> to vector<64x1x16xf32>
    %broadcast_in_dim3A_14 = vector.shape_cast %broadcast_in_dim3A_13 : vector<64x1x16xf32> to vector<64x1x16xf32>
    %broadcast_in_dim3A_15 = vector.broadcast %broadcast_in_dim3A_14 : vector<64x1x16xf32> to vector<64x32x16xf32>
    %reshape3A = vector.shape_cast %broadcast_in_dim3A_15 : vector<64x32x16xf32> to vector<2048x16xf32>
    %sub3A = arith.subf %reshape3A, %get3A_9 : vector<2048x16xf32>
    %mul3A = arith.mulf %sub3A, %sub3A : vector<2048x16xf32>
    %reduce_sum3A = arith.constant dense<0.000000e+00> : vector<2048xf32>
    %reduce_sum3A_16 = vector.multi_reduction <add>, %mul3A, %reduce_sum3A [1] : vector<2048x16xf32> to vector<2048xf32>
    %broadcast_in_dim3A_17 = vector.shape_cast %reduce_sum3A_16 : vector<2048xf32> to vector<2048x1xf32>
    %add3A = arith.constant 1.000000e-30 : f32
    %add3A_18 = vector.broadcast %add3A : f32 to vector<2048x1xf32>
    %add3A_19 = arith.addf %broadcast_in_dim3A_17, %add3A_18 : vector<2048x1xf32>
    %sqrt3A = math.sqrt %add3A_19 : vector<2048x1xf32>
    %mul3A_20 = arith.constant 1.000000e+02 : f32
    %mul3A_21 = vector.broadcast %mul3A_20 : f32 to vector<2048x1xf32>
    %mul3A_22 = arith.mulf %sqrt3A, %mul3A_21 : vector<2048x1xf32>
    %min3A = arith.constant 5.000000e+03 : f32
    %min3A_23 = vector.broadcast %min3A : f32 to vector<2048x1xf32>
    %min3A_24 = arith.minimumf %mul3A_22, %min3A_23 : vector<2048x1xf32>
    %iota3A = tpu.iota {dimensions = array<i32: 1>} : vector<1x64xi32>
    %jit3A = arith.constant 2 : i32
    %div3A = vector.broadcast %jit3A : i32 to vector<1x64xi32>
    %div3A_25 = arith.divsi %iota3A, %div3A : vector<1x64xi32>
    %sign3A = arith.constant 0 : i32
    %sign3A_26 = vector.broadcast %sign3A : i32 to vector<1x64xi32>
    %sign3A_27 = arith.cmpi sgt, %iota3A, %sign3A_26 : vector<1x64xi32>
    %sign3A_28 = arith.extui %sign3A_27 : vector<1x64xi1> to vector<1x64xi32>
    %sign3A_29 = arith.constant 0 : i32
    %sign3A_30 = vector.broadcast %sign3A_29 : i32 to vector<1x64xi32>
    %sign3A_31 = arith.cmpi slt, %iota3A, %sign3A_30 : vector<1x64xi32>
    %sign3A_32 = arith.extui %sign3A_31 : vector<1x64xi1> to vector<1x64xi32>
    %sign3A_33 = arith.subi %sign3A_28, %sign3A_32 : vector<1x64xi32>
    %sign3A_34 = arith.constant 0 : i32
    %sign3A_35 = arith.cmpi sgt, %jit3A, %sign3A_34 : i32
    %sign3A_36 = arith.extui %sign3A_35 : i1 to i32
    %sign3A_37 = arith.constant 0 : i32
    %sign3A_38 = arith.cmpi slt, %jit3A, %sign3A_37 : i32
    %sign3A_39 = arith.extui %sign3A_38 : i1 to i32
    %sign3A_40 = arith.subi %sign3A_36, %sign3A_39 : i32
    %ne3A = vector.broadcast %sign3A_40 : i32 to vector<1x64xi32>
    %ne3A_41 = arith.cmpi ne, %sign3A_33, %ne3A : vector<1x64xi32>
    %rem3A = vector.broadcast %jit3A : i32 to vector<1x64xi32>
    %rem3A_42 = arith.remsi %iota3A, %rem3A : vector<1x64xi32>
    %ne3A_43 = arith.constant 0 : i32
    %ne3A_44 = vector.broadcast %ne3A_43 : i32 to vector<1x64xi32>
    %ne3A_45 = arith.cmpi ne, %rem3A_42, %ne3A_44 : vector<1x64xi32>
    %and3A_46 = arith.andi %ne3A_41, %ne3A_45 : vector<1x64xi1>
    %sub3A_47 = arith.constant 1 : i32
    %sub3A_48 = vector.broadcast %sub3A_47 : i32 to vector<1x64xi32>
    %sub3A_49 = arith.subi %div3A_25, %sub3A_48 : vector<1x64xi32>
    %select_n3A = arith.select %and3A_46, %sub3A_49, %div3A_25 : vector<1x64xi1>, vector<1x64xi32>
    %convert_element_type3A = arith.sitofp %select_n3A : vector<1x64xi32> to vector<1x64xf32>
    %mul3A_50 = arith.constant -0.287823141 : f32
    %mul3A_51 = vector.broadcast %mul3A_50 : f32 to vector<1x64xf32>
    %mul3A_52 = arith.mulf %convert_element_type3A, %mul3A_51 : vector<1x64xf32>
    %exp3A = math.exp %mul3A_52 : vector<1x64xf32>
    %mul3A_53 = vector.broadcast %min3A_24 : vector<2048x1xf32> to vector<2048x64xf32>
    %mul3A_54 = vector.broadcast %exp3A : vector<1x64xf32> to vector<2048x64xf32>
    %mul3A_55 = arith.mulf %mul3A_53, %mul3A_54 : vector<2048x64xf32>
    %mul3A_56 = arith.constant 0.318309873 : f32
    %mul3A_57 = vector.broadcast %mul3A_56 : f32 to vector<2048x64xf32>
    %mul3A_58 = arith.mulf %mul3A_55, %mul3A_57 : vector<2048x64xf32>
    %round3A = math.roundeven %mul3A_58 : vector<2048x64xf32>
    %mul3A_59 = arith.constant 3.140625 : f32
    %mul3A_60 = vector.broadcast %mul3A_59 : f32 to vector<2048x64xf32>
    %mul3A_61 = arith.mulf %round3A, %mul3A_60 : vector<2048x64xf32>
    %sub3A_62 = arith.subf %mul3A_55, %mul3A_61 : vector<2048x64xf32>
    %mul3A_63 = arith.constant 9.67653584E-4 : f32
    %mul3A_64 = vector.broadcast %mul3A_63 : f32 to vector<2048x64xf32>
    %mul3A_65 = arith.mulf %round3A, %mul3A_64 : vector<2048x64xf32>
    %sub3A_66 = arith.subf %sub3A_62, %mul3A_65 : vector<2048x64xf32>
    %mul3A_67 = arith.mulf %sub3A_66, %sub3A_66 : vector<2048x64xf32>
    %mul3A_68 = arith.constant 2.08767559E-9 : f32
    %mul3A_69 = vector.broadcast %mul3A_68 : f32 to vector<2048x64xf32>
    %mul3A_70 = arith.mulf %mul3A_67, %mul3A_69 : vector<2048x64xf32>
    %add3A_71 = arith.constant -2.755732E-7 : f32
    %add3A_72 = vector.broadcast %add3A_71 : f32 to vector<2048x64xf32>
    %add3A_73 = arith.addf %add3A_72, %mul3A_70 : vector<2048x64xf32>
    %mul3A_74 = arith.mulf %mul3A_67, %add3A_73 : vector<2048x64xf32>
    %add3A_75 = arith.constant 2.48015876E-5 : f32
    %add3A_76 = vector.broadcast %add3A_75 : f32 to vector<2048x64xf32>
    %add3A_77 = arith.addf %add3A_76, %mul3A_74 : vector<2048x64xf32>
    %mul3A_78 = arith.mulf %mul3A_67, %add3A_77 : vector<2048x64xf32>
    %add3A_79 = arith.constant -0.00138888892 : f32
    %add3A_80 = vector.broadcast %add3A_79 : f32 to vector<2048x64xf32>
    %add3A_81 = arith.addf %add3A_80, %mul3A_78 : vector<2048x64xf32>
    %mul3A_82 = arith.mulf %mul3A_67, %add3A_81 : vector<2048x64xf32>
    %add3A_83 = arith.constant 0.0416666679 : f32
    %add3A_84 = vector.broadcast %add3A_83 : f32 to vector<2048x64xf32>
    %add3A_85 = arith.addf %add3A_84, %mul3A_82 : vector<2048x64xf32>
    %mul3A_86 = arith.mulf %mul3A_67, %add3A_85 : vector<2048x64xf32>
    %add3A_87 = arith.constant -5.000000e-01 : f32
    %add3A_88 = vector.broadcast %add3A_87 : f32 to vector<2048x64xf32>
    %add3A_89 = arith.addf %add3A_88, %mul3A_86 : vector<2048x64xf32>
    %mul3A_90 = arith.mulf %mul3A_67, %add3A_89 : vector<2048x64xf32>
    %add3A_91 = arith.constant 1.000000e+00 : f32
    %add3A_92 = vector.broadcast %add3A_91 : f32 to vector<2048x64xf32>
    %add3A_93 = arith.addf %add3A_92, %mul3A_90 : vector<2048x64xf32>
    %mul3A_94 = arith.constant -2.50521079E-8 : f32
    %mul3A_95 = vector.broadcast %mul3A_94 : f32 to vector<2048x64xf32>
    %mul3A_96 = arith.mulf %mul3A_67, %mul3A_95 : vector<2048x64xf32>
    %add3A_97 = arith.constant 2.75573188E-6 : f32
    %add3A_98 = vector.broadcast %add3A_97 : f32 to vector<2048x64xf32>
    %add3A_99 = arith.addf %add3A_98, %mul3A_96 : vector<2048x64xf32>
    %mul3A_100 = arith.mulf %mul3A_67, %add3A_99 : vector<2048x64xf32>
    %add3A_101 = arith.constant -1.98412701E-4 : f32
    %add3A_102 = vector.broadcast %add3A_101 : f32 to vector<2048x64xf32>
    %add3A_103 = arith.addf %add3A_102, %mul3A_100 : vector<2048x64xf32>
    %mul3A_104 = arith.mulf %mul3A_67, %add3A_103 : vector<2048x64xf32>
    %add3A_105 = arith.constant 0.00833333377 : f32
    %add3A_106 = vector.broadcast %add3A_105 : f32 to vector<2048x64xf32>
    %add3A_107 = arith.addf %add3A_106, %mul3A_104 : vector<2048x64xf32>
    %mul3A_108 = arith.mulf %mul3A_67, %add3A_107 : vector<2048x64xf32>
    %add3A_109 = arith.constant -0.166666672 : f32
    %add3A_110 = vector.broadcast %add3A_109 : f32 to vector<2048x64xf32>
    %add3A_111 = arith.addf %add3A_110, %mul3A_108 : vector<2048x64xf32>
    %mul3A_112 = arith.mulf %mul3A_67, %add3A_111 : vector<2048x64xf32>
    %add3A_113 = arith.constant 1.000000e+00 : f32
    %add3A_114 = vector.broadcast %add3A_113 : f32 to vector<2048x64xf32>
    %add3A_115 = arith.addf %add3A_114, %mul3A_112 : vector<2048x64xf32>
    %mul3A_116 = arith.mulf %sub3A_66, %add3A_115 : vector<2048x64xf32>
    %convert_element_type3A_117 = arith.fptosi %round3A : vector<2048x64xf32> to vector<2048x64xi32>
    %broadcast_in_dim3A_118 = arith.constant 31 : i32
    %broadcast_in_dim3A_119 = vector.broadcast %broadcast_in_dim3A_118 : i32 to vector<2048x64xi32>
    %shift_left3A_120 = arith.shli %convert_element_type3A_117, %broadcast_in_dim3A_119 : vector<2048x64xi32>
    %bitcast_convert_type3A_121 = tpu.bitcast %add3A_93 : vector<2048x64xf32> -> vector<2048x64xi32>
    %xor3A = arith.xori %bitcast_convert_type3A_121, %shift_left3A_120 : vector<2048x64xi32>
    %bitcast_convert_type3A_122 = tpu.bitcast %xor3A : vector<2048x64xi32> -> vector<2048x64xf32>
    %bitcast_convert_type3A_123 = tpu.bitcast %mul3A_116 : vector<2048x64xf32> -> vector<2048x64xi32>
    %xor3A_124 = arith.xori %bitcast_convert_type3A_123, %shift_left3A_120 : vector<2048x64xi32>
    %bitcast_convert_type3A_125 = tpu.bitcast %xor3A_124 : vector<2048x64xi32> -> vector<2048x64xf32>
    %concatenate3A = tpu.concatenate %bitcast_convert_type3A_122, %bitcast_convert_type3A_122, %bitcast_convert_type3A_122, %bitcast_convert_type3A_122, %bitcast_convert_type3A_122, %bitcast_convert_type3A_122, %bitcast_convert_type3A_122, %bitcast_convert_type3A_122 in 1 : vector<2048x64xf32>, vector<2048x64xf32>, vector<2048x64xf32>, vector<2048x64xf32>, vector<2048x64xf32>, vector<2048x64xf32>, vector<2048x64xf32>, vector<2048x64xf32> -> vector<2048x512xf32>
    %concatenate3A_126 = tpu.concatenate %bitcast_convert_type3A_125, %bitcast_convert_type3A_125, %bitcast_convert_type3A_125, %bitcast_convert_type3A_125, %bitcast_convert_type3A_125, %bitcast_convert_type3A_125, %bitcast_convert_type3A_125, %bitcast_convert_type3A_125 in 1 : vector<2048x64xf32>, vector<2048x64xf32>, vector<2048x64xf32>, vector<2048x64xf32>, vector<2048x64xf32>, vector<2048x64xf32>, vector<2048x64xf32>, vector<2048x64xf32> -> vector<2048x512xf32>
    %slice3A = vector.extract_strided_slice %bitcast_convert_type3A_3 {offsets = [0, 1], sizes = [2048, 511], strides = [1, 1]} : vector<2048x512xf32> to vector<2048x511xf32>
    %slice3A_127 = vector.extract_strided_slice %bitcast_convert_type3A_3 {offsets = [0, 0], sizes = [2048, 1], strides = [1, 1]} : vector<2048x512xf32> to vector<2048x1xf32>
    %concatenate3A_128 = tpu.concatenate %slice3A, %slice3A_127 in 1 : vector<2048x511xf32>, vector<2048x1xf32> -> vector<2048x512xf32>
    %slice3A_129 = vector.extract_strided_slice %bitcast_convert_type3A_3 {offsets = [0, 511], sizes = [2048, 1], strides = [1, 1]} : vector<2048x512xf32> to vector<2048x1xf32>
    %slice3A_130 = vector.extract_strided_slice %bitcast_convert_type3A_3 {offsets = [0, 0], sizes = [2048, 511], strides = [1, 1]} : vector<2048x512xf32> to vector<2048x511xf32>
    %concatenate3A_131 = tpu.concatenate %slice3A_129, %slice3A_130 in 1 : vector<2048x1xf32>, vector<2048x511xf32> -> vector<2048x512xf32>
    %iota3A_132 = tpu.iota {dimensions = array<i32: 1>} : vector<1x512xi32>
    %jit3A_133 = arith.constant 2 : i32
    %eq3A = arith.constant 0 : i32
    %eq3A_134 = arith.cmpi eq, %jit3A_133, %eq3A : i32
    %jit3A_135 = arith.constant 1 : i32
    %select_n3A_136 = arith.select %eq3A_134, %jit3A_135, %jit3A_133 : i32
    %rem3A_137 = vector.broadcast %select_n3A_136 : i32 to vector<1x512xi32>
    %rem3A_138 = arith.remsi %iota3A_132, %rem3A_137 : vector<1x512xi32>
    %ne3A_139 = arith.constant 0 : i32
    %ne3A_140 = vector.broadcast %ne3A_139 : i32 to vector<1x512xi32>
    %ne3A_141 = arith.cmpi ne, %rem3A_138, %ne3A_140 : vector<1x512xi32>
    %lt3A = arith.constant 0 : i32
    %lt3A_142 = vector.broadcast %lt3A : i32 to vector<1x512xi32>
    %lt3A_143 = arith.cmpi slt, %rem3A_138, %lt3A_142 : vector<1x512xi32>
    %lt3A_144 = arith.constant 0 : i32
    %lt3A_145 = arith.cmpi slt, %select_n3A_136, %lt3A_144 : i32
    %ne3A_146 = vector.broadcast %lt3A_145 : i1 to vector<1x512xi1>
    %ne3A_147 = vector.broadcast %ne3A_146 : vector<1x512xi1> to vector<1x512xi1>
    %ne3A_148 = arith.xori %lt3A_143, %ne3A_147 : vector<1x512xi1>
    %and3A_149 = arith.andi %ne3A_148, %ne3A_141 : vector<1x512xi1>
    %add3A_150 = vector.broadcast %select_n3A_136 : i32 to vector<1x512xi32>
    %add3A_151 = arith.addi %rem3A_138, %add3A_150 : vector<1x512xi32>
    %select_n3A_152 = arith.select %and3A_149, %add3A_151, %rem3A_138 : vector<1x512xi1>, vector<1x512xi32>
    %eq3A_153 = arith.constant 0 : i32
    %eq3A_154 = vector.broadcast %eq3A_153 : i32 to vector<1x512xi32>
    %eq3A_155 = arith.cmpi eq, %select_n3A_152, %eq3A_154 : vector<1x512xi32>
    %neg3A = arith.constant 0.000000e+00 : f32
    %neg3A_156 = vector.broadcast %neg3A : f32 to vector<2048x512xf32>
    %neg3A_157 = arith.subf %neg3A_156, %concatenate3A_128 : vector<2048x512xf32>
    %broadcast_in_dim3A_158 = vector.shape_cast %eq3A_155 : vector<1x512xi1> to vector<1x512xi1>
    %broadcast_in_dim3A_159 = vector.broadcast %broadcast_in_dim3A_158 : vector<1x512xi1> to vector<2048x512xi1>
    %select_n3A_160 = arith.select %broadcast_in_dim3A_159, %neg3A_157, %concatenate3A_131 : vector<2048x512xi1>, vector<2048x512xf32>
    %mul3A_161 = arith.mulf %bitcast_convert_type3A_3, %concatenate3A : vector<2048x512xf32>
    %mul3A_162 = arith.mulf %select_n3A_160, %concatenate3A_126 : vector<2048x512xf32>
    %add3A_163 = arith.addf %mul3A_161, %mul3A_162 : vector<2048x512xf32>
    %get3A_164 = arith.constant 0 : index
    %get3A_165 = arith.constant 0 : index
    %get3A_166 = vector.load %arg1[%get3A_164, %get3A_165] : memref<64x512xf32, #tpu.memory_space<vmem>>, vector<64x512xf32>
    %broadcast_in_dim3A_167 = vector.shape_cast %get3A_166 : vector<64x512xf32> to vector<64x1x512xf32>
    %broadcast_in_dim3A_168 = vector.shape_cast %broadcast_in_dim3A_167 : vector<64x1x512xf32> to vector<64x1x512xf32>
    %broadcast_in_dim3A_169 = vector.broadcast %broadcast_in_dim3A_168 : vector<64x1x512xf32> to vector<64x32x512xf32>
    %reshape3A_170 = vector.shape_cast %broadcast_in_dim3A_169 : vector<64x32x512xf32> to vector<2048x512xf32>
    %iota3A_171 = tpu.iota {dimensions = array<i32: 0>} : vector<512x8xi32>
    %iota3A_172 = tpu.iota {dimensions = array<i32: 1>} : vector<512x8xi32>
    %jit3A_173 = arith.constant 64 : i32
    %div3A_174 = vector.broadcast %jit3A_173 : i32 to vector<512x8xi32>
    %div3A_175 = arith.divsi %iota3A_171, %div3A_174 : vector<512x8xi32>
    %sign3A_176 = arith.constant 0 : i32
    %sign3A_177 = vector.broadcast %sign3A_176 : i32 to vector<512x8xi32>
    %sign3A_178 = arith.cmpi sgt, %iota3A_171, %sign3A_177 : vector<512x8xi32>
    %sign3A_179 = arith.extui %sign3A_178 : vector<512x8xi1> to vector<512x8xi32>
    %sign3A_180 = arith.constant 0 : i32
    %sign3A_181 = vector.broadcast %sign3A_180 : i32 to vector<512x8xi32>
    %sign3A_182 = arith.cmpi slt, %iota3A_171, %sign3A_181 : vector<512x8xi32>
    %sign3A_183 = arith.extui %sign3A_182 : vector<512x8xi1> to vector<512x8xi32>
    %sign3A_184 = arith.subi %sign3A_179, %sign3A_183 : vector<512x8xi32>
    %sign3A_185 = arith.constant 0 : i32
    %sign3A_186 = arith.cmpi sgt, %jit3A_173, %sign3A_185 : i32
    %sign3A_187 = arith.extui %sign3A_186 : i1 to i32
    %sign3A_188 = arith.constant 0 : i32
    %sign3A_189 = arith.cmpi slt, %jit3A_173, %sign3A_188 : i32
    %sign3A_190 = arith.extui %sign3A_189 : i1 to i32
    %sign3A_191 = arith.subi %sign3A_187, %sign3A_190 : i32
    %ne3A_192 = vector.broadcast %sign3A_191 : i32 to vector<512x8xi32>
    %ne3A_193 = arith.cmpi ne, %sign3A_184, %ne3A_192 : vector<512x8xi32>
    %rem3A_194 = vector.broadcast %jit3A_173 : i32 to vector<512x8xi32>
    %rem3A_195 = arith.remsi %iota3A_171, %rem3A_194 : vector<512x8xi32>
    %ne3A_196 = arith.constant 0 : i32
    %ne3A_197 = vector.broadcast %ne3A_196 : i32 to vector<512x8xi32>
    %ne3A_198 = arith.cmpi ne, %rem3A_195, %ne3A_197 : vector<512x8xi32>
    %and3A_199 = arith.andi %ne3A_193, %ne3A_198 : vector<512x8xi1>
    %sub3A_200 = arith.constant 1 : i32
    %sub3A_201 = vector.broadcast %sub3A_200 : i32 to vector<512x8xi32>
    %sub3A_202 = arith.subi %div3A_175, %sub3A_201 : vector<512x8xi32>
    %select_n3A_203 = arith.select %and3A_199, %sub3A_202, %div3A_175 : vector<512x8xi1>, vector<512x8xi32>
    %eq3A_204 = arith.cmpi eq, %select_n3A_203, %iota3A_172 : vector<512x8xi32>
    %convert_element_type3A_205 = arith.extui %eq3A_204 : vector<512x8xi1> to vector<512x8xi32>
    %convert_element_type3A_206 = arith.sitofp %convert_element_type3A_205 : vector<512x8xi32> to vector<512x8xf32>
    %mul3A_207 = arith.mulf %reshape3A_170, %add3A_163 : vector<2048x512xf32>
    %dot_general3A = arith.constant dense<0.000000e+00> : vector<2048x8xf32>
    %dot_general3A_208 = tpu.matmul %mul3A_207, %convert_element_type3A_206, %dot_general3A {dimension_numbers = #tpu.dot_dimension_numbers<[1], [0], [0], [1], [0, 0, 1, 1], [], []>, transpose_lhs_hint = false} : vector<2048x512xf32>, vector<512x8xf32>, vector<2048x8xf32> -> vector<2048x8xf32>
    %mul3A_209 = arith.constant 1.250000e-01 : f32
    %mul3A_210 = vector.broadcast %mul3A_209 : f32 to vector<2048x8xf32>
    %mul3A_211 = arith.mulf %dot_general3A_208, %mul3A_210 : vector<2048x8xf32>
    %iota3A_212 = tpu.iota {dimensions = array<i32: 0>} : vector<64x2048xi32>
    %iota3A_213 = tpu.iota {dimensions = array<i32: 1>} : vector<64x2048xi32>
    %jit3A_214 = arith.constant 32 : i32
    %div3A_215 = vector.broadcast %jit3A_214 : i32 to vector<64x2048xi32>
    %div3A_216 = arith.divsi %iota3A_213, %div3A_215 : vector<64x2048xi32>
    %sign3A_217 = arith.constant 0 : i32
    %sign3A_218 = vector.broadcast %sign3A_217 : i32 to vector<64x2048xi32>
    %sign3A_219 = arith.cmpi sgt, %iota3A_213, %sign3A_218 : vector<64x2048xi32>
    %sign3A_220 = arith.extui %sign3A_219 : vector<64x2048xi1> to vector<64x2048xi32>
    %sign3A_221 = arith.constant 0 : i32
    %sign3A_222 = vector.broadcast %sign3A_221 : i32 to vector<64x2048xi32>
    %sign3A_223 = arith.cmpi slt, %iota3A_213, %sign3A_222 : vector<64x2048xi32>
    %sign3A_224 = arith.extui %sign3A_223 : vector<64x2048xi1> to vector<64x2048xi32>
    %sign3A_225 = arith.subi %sign3A_220, %sign3A_224 : vector<64x2048xi32>
    %sign3A_226 = arith.constant 0 : i32
    %sign3A_227 = arith.cmpi sgt, %jit3A_214, %sign3A_226 : i32
    %sign3A_228 = arith.extui %sign3A_227 : i1 to i32
    %sign3A_229 = arith.constant 0 : i32
    %sign3A_230 = arith.cmpi slt, %jit3A_214, %sign3A_229 : i32
    %sign3A_231 = arith.extui %sign3A_230 : i1 to i32
    %sign3A_232 = arith.subi %sign3A_228, %sign3A_231 : i32
    %ne3A_233 = vector.broadcast %sign3A_232 : i32 to vector<64x2048xi32>
    %ne3A_234 = arith.cmpi ne, %sign3A_225, %ne3A_233 : vector<64x2048xi32>
    %rem3A_235 = vector.broadcast %jit3A_214 : i32 to vector<64x2048xi32>
    %rem3A_236 = arith.remsi %iota3A_213, %rem3A_235 : vector<64x2048xi32>
    %ne3A_237 = arith.constant 0 : i32
    %ne3A_238 = vector.broadcast %ne3A_237 : i32 to vector<64x2048xi32>
    %ne3A_239 = arith.cmpi ne, %rem3A_236, %ne3A_238 : vector<64x2048xi32>
    %and3A_240 = arith.andi %ne3A_234, %ne3A_239 : vector<64x2048xi1>
    %sub3A_241 = arith.constant 1 : i32
    %sub3A_242 = vector.broadcast %sub3A_241 : i32 to vector<64x2048xi32>
    %sub3A_243 = arith.subi %div3A_216, %sub3A_242 : vector<64x2048xi32>
    %select_n3A_244 = arith.select %and3A_240, %sub3A_243, %div3A_216 : vector<64x2048xi1>, vector<64x2048xi32>
    %eq3A_245 = arith.cmpi eq, %select_n3A_244, %iota3A_212 : vector<64x2048xi32>
    %convert_element_type3A_246 = arith.extui %eq3A_245 : vector<64x2048xi1> to vector<64x2048xi32>
    %convert_element_type3A_247 = arith.sitofp %convert_element_type3A_246 : vector<64x2048xi32> to vector<64x2048xf32>
    %exp3A_248 = math.exp %mul3A_211 : vector<2048x8xf32>
    %dot_general3A_249 = arith.constant dense<0.000000e+00> : vector<64x8xf32>
    %dot_general3A_250 = tpu.matmul %convert_element_type3A_247, %exp3A_248, %dot_general3A_249 {dimension_numbers = #tpu.dot_dimension_numbers<[1], [0], [0], [1], [0, 0, 1, 1], [], []>, transpose_lhs_hint = false} : vector<64x2048xf32>, vector<2048x8xf32>, vector<64x8xf32> -> vector<64x8xf32>
    %broadcast_in_dim3A_251 = vector.shape_cast %dot_general3A_250 : vector<64x8xf32> to vector<64x1x8xf32>
    %broadcast_in_dim3A_252 = vector.shape_cast %broadcast_in_dim3A_251 : vector<64x1x8xf32> to vector<64x1x8xf32>
    %broadcast_in_dim3A_253 = vector.broadcast %broadcast_in_dim3A_252 : vector<64x1x8xf32> to vector<64x32x8xf32>
    %reshape3A_254 = vector.shape_cast %broadcast_in_dim3A_253 : vector<64x32x8xf32> to vector<2048x8xf32>
    %div3A_255 = arith.divf %exp3A_248, %reshape3A_254 : vector<2048x8xf32>
    %transpose3A = tpu.transpose %iota3A_171, [1, 0] : vector<512x8xi32> -> vector<8x512xi32>
    %jit3A_256 = arith.constant 64 : i32
    %div3A_257 = vector.broadcast %jit3A_256 : i32 to vector<8x512xi32>
    %div3A_258 = arith.divsi %transpose3A, %div3A_257 : vector<8x512xi32>
    %sign3A_259 = arith.constant 0 : i32
    %sign3A_260 = vector.broadcast %sign3A_259 : i32 to vector<8x512xi32>
    %sign3A_261 = arith.cmpi sgt, %transpose3A, %sign3A_260 : vector<8x512xi32>
    %sign3A_262 = arith.extui %sign3A_261 : vector<8x512xi1> to vector<8x512xi32>
    %sign3A_263 = arith.constant 0 : i32
    %sign3A_264 = vector.broadcast %sign3A_263 : i32 to vector<8x512xi32>
    %sign3A_265 = arith.cmpi slt, %transpose3A, %sign3A_264 : vector<8x512xi32>
    %sign3A_266 = arith.extui %sign3A_265 : vector<8x512xi1> to vector<8x512xi32>
    %sign3A_267 = arith.subi %sign3A_262, %sign3A_266 : vector<8x512xi32>
    %sign3A_268 = arith.constant 0 : i32
    %sign3A_269 = arith.cmpi sgt, %jit3A_256, %sign3A_268 : i32
    %sign3A_270 = arith.extui %sign3A_269 : i1 to i32
    %sign3A_271 = arith.constant 0 : i32
    %sign3A_272 = arith.cmpi slt, %jit3A_256, %sign3A_271 : i32
    %sign3A_273 = arith.extui %sign3A_272 : i1 to i32
    %sign3A_274 = arith.subi %sign3A_270, %sign3A_273 : i32
    %ne3A_275 = vector.broadcast %sign3A_274 : i32 to vector<8x512xi32>
    %ne3A_276 = arith.cmpi ne, %sign3A_267, %ne3A_275 : vector<8x512xi32>
    %rem3A_277 = vector.broadcast %jit3A_256 : i32 to vector<8x512xi32>
    %rem3A_278 = arith.remsi %transpose3A, %rem3A_277 : vector<8x512xi32>
    %ne3A_279 = arith.constant 0 : i32
    %ne3A_280 = vector.broadcast %ne3A_279 : i32 to vector<8x512xi32>
    %ne3A_281 = arith.cmpi ne, %rem3A_278, %ne3A_280 : vector<8x512xi32>
    %and3A_282 = arith.andi %ne3A_276, %ne3A_281 : vector<8x512xi1>
    %sub3A_283 = arith.constant 1 : i32
    %sub3A_284 = vector.broadcast %sub3A_283 : i32 to vector<8x512xi32>
    %sub3A_285 = arith.subi %div3A_258, %sub3A_284 : vector<8x512xi32>
    %select_n3A_286 = arith.select %and3A_282, %sub3A_285, %div3A_258 : vector<8x512xi1>, vector<8x512xi32>
    %transpose3A_287 = tpu.transpose %iota3A_172, [1, 0] : vector<512x8xi32> -> vector<8x512xi32>
    %eq3A_288 = arith.cmpi eq, %select_n3A_286, %transpose3A_287 : vector<8x512xi32>
    %convert_element_type3A_289 = arith.extui %eq3A_288 : vector<8x512xi1> to vector<8x512xi32>
    %convert_element_type3A_290 = arith.sitofp %convert_element_type3A_289 : vector<8x512xi32> to vector<8x512xf32>
    %dot_general3A_291 = arith.constant dense<0.000000e+00> : vector<2048x512xf32>
    %dot_general3A_292 = tpu.matmul %div3A_255, %convert_element_type3A_290, %dot_general3A_291 {dimension_numbers = #tpu.dot_dimension_numbers<[1], [0], [0], [1], [0, 0, 1, 1], [], []>, transpose_lhs_hint = false} : vector<2048x8xf32>, vector<8x512xf32>, vector<2048x512xf32> -> vector<2048x512xf32>
    %mul3A_293 = arith.mulf %dot_general3A_292, %bitcast_convert_type3A_6 : vector<2048x512xf32>
    %dot_general3A_294 = arith.constant dense<0.000000e+00> : vector<64x512xf32>
    %dot_general3A_295 = tpu.matmul %convert_element_type3A_247, %mul3A_293, %dot_general3A_294 {dimension_numbers = #tpu.dot_dimension_numbers<[1], [0], [0], [1], [0, 0, 1, 1], [], []>, transpose_lhs_hint = false} : vector<64x2048xf32>, vector<2048x512xf32>, vector<64x512xf32> -> vector<64x512xf32>
    %get3A_296 = arith.constant 0 : index
    %get3A_297 = arith.constant 0 : index
    %get3A_298 = vector.load %arg5[%get3A_296, %get3A_297] : memref<512x512xf32, #tpu.memory_space<vmem>>, vector<512x512xf32>
    %dot_general3A_299 = arith.constant dense<0.000000e+00> : vector<64x512xf32>
    %dot_general3A_300 = tpu.matmul %dot_general3A_295, %get3A_298, %dot_general3A_299 {dimension_numbers = #tpu.dot_dimension_numbers<[1], [0], [0], [1], [0, 0, 1, 1], [], []>, transpose_lhs_hint = false} : vector<64x512xf32>, vector<512x512xf32>, vector<64x512xf32> -> vector<64x512xf32>
    %get3A_301 = arith.constant 0 : index
    %get3A_302 = arith.constant 0 : index
    %get3A_303 = vector.load %arg6[%get3A_301, %get3A_302] : memref<1x512xf32, #tpu.memory_space<vmem>>, vector<1x512xf32>
    %add3A_304 = vector.broadcast %get3A_303 : vector<1x512xf32> to vector<64x512xf32>
    %add3A_305 = arith.addf %dot_general3A_300, %add3A_304 : vector<64x512xf32>
    %swap3A = arith.constant 0 : index
    %swap3A_306 = arith.constant 0 : index
    %swap3A_307 = vector.load %arg15[%swap3A, %swap3A_306] : memref<64x512xf32, #tpu.memory_space<vmem>>, vector<64x512xf32>
    tpu.vector_store %arg15[%swap3A, %swap3A_306], %add3A_305 {strides = array<i32>} : memref<64x512xf32, #tpu.memory_space<vmem>>, vector<64x512xf32>,
    %get3A_308 = arith.constant 0 : index
    %get3A_309 = arith.constant 0 : index
    %get3A_310 = vector.load %arg7[%get3A_308, %get3A_309] : memref<8x16xf32, #tpu.memory_space<vmem>>, vector<8x16xf32>
    %dot_general3A_311 = arith.constant dense<0.000000e+00> : vector<2048x16xf32>
    %dot_general3A_312 = tpu.matmul %mul3A_211, %get3A_310, %dot_general3A_311 {dimension_numbers = #tpu.dot_dimension_numbers<[1], [0], [0], [1], [0, 0, 1, 1], [], []>, transpose_lhs_hint = false} : vector<2048x8xf32>, vector<8x16xf32>, vector<2048x16xf32> -> vector<2048x16xf32>
    %get3A_313 = arith.constant 0 : index
    %get3A_314 = arith.constant 0 : index
    %get3A_315 = vector.load %arg8[%get3A_313, %get3A_314] : memref<1x16xf32, #tpu.memory_space<vmem>>, vector<1x16xf32>
    %add3A_316 = vector.broadcast %get3A_315 : vector<1x16xf32> to vector<2048x16xf32>
    %add3A_317 = arith.addf %dot_general3A_312, %add3A_316 : vector<2048x16xf32>
    %mul3A_318 = arith.constant 5.000000e-01 : f32
    %mul3A_319 = vector.broadcast %mul3A_318 : f32 to vector<2048x16xf32>
    %mul3A_320 = arith.mulf %mul3A_319, %add3A_317 : vector<2048x16xf32>
    %mul3A_321 = arith.constant 0.707106769 : f32
    %mul3A_322 = vector.broadcast %mul3A_321 : f32 to vector<2048x16xf32>
    %mul3A_323 = arith.mulf %add3A_317, %mul3A_322 : vector<2048x16xf32>
    %erf3A = math.erf %mul3A_323 : vector<2048x16xf32>
    %add3A_324 = arith.constant 1.000000e+00 : f32
    %add3A_325 = vector.broadcast %add3A_324 : f32 to vector<2048x16xf32>
    %add3A_326 = arith.addf %add3A_325, %erf3A : vector<2048x16xf32>
    %mul3A_327 = arith.mulf %mul3A_320, %add3A_326 : vector<2048x16xf32>
    %get3A_328 = arith.constant 0 : index
    %get3A_329 = arith.constant 0 : index
    %get3A_330 = vector.load %arg9[%get3A_328, %get3A_329] : memref<16x8xf32, #tpu.memory_space<vmem>>, vector<16x8xf32>
    %dot_general3A_331 = arith.constant dense<0.000000e+00> : vector<2048x8xf32>
    %dot_general3A_332 = tpu.matmul %mul3A_327, %get3A_330, %dot_general3A_331 {dimension_numbers = #tpu.dot_dimension_numbers<[1], [0], [0], [1], [0, 0, 1, 1], [], []>, transpose_lhs_hint = false} : vector<2048x16xf32>, vector<16x8xf32>, vector<2048x8xf32> -> vector<2048x8xf32>
    %get3A_333 = arith.constant 0 : index
    %get3A_334 = arith.constant 0 : index
    %get3A_335 = vector.load %arg10[%get3A_333, %get3A_334] : memref<1x8xf32, #tpu.memory_space<vmem>>, vector<1x8xf32>
    %add3A_336 = vector.broadcast %get3A_335 : vector<1x8xf32> to vector<2048x8xf32>
    %add3A_337 = arith.addf %dot_general3A_332, %add3A_336 : vector<2048x8xf32>
    %get3A_338 = arith.constant 0 : index
    %get3A_339 = arith.constant 0 : index
    %get3A_340 = vector.load %arg11[%get3A_338, %get3A_339] : memref<8x8xf32, #tpu.memory_space<vmem>>, vector<8x8xf32>
    %dot_general3A_341 = arith.constant dense<0.000000e+00> : vector<2048x8xf32>
    %dot_general3A_342 = tpu.matmul %mul3A_211, %get3A_340, %dot_general3A_341 {dimension_numbers = #tpu.dot_dimension_numbers<[1], [0], [0], [1], [0, 0, 1, 1], [], []>, transpose_lhs_hint = false} : vector<2048x8xf32>, vector<8x8xf32>, vector<2048x8xf32> -> vector<2048x8xf32>
    %get3A_343 = arith.constant 0 : index
    %get3A_344 = arith.constant 0 : index
    %get3A_345 = vector.load %arg12[%get3A_343, %get3A_344] : memref<1x8xf32, #tpu.memory_space<vmem>>, vector<1x8xf32>
    %add3A_346 = vector.broadcast %get3A_345 : vector<1x8xf32> to vector<2048x8xf32>
    %add3A_347 = arith.addf %dot_general3A_342, %add3A_346 : vector<2048x8xf32>
    %tanh3A = math.tanh %add3A_347 : vector<2048x8xf32>
    %max3A = arith.constant 9.99999993E-9 : f32
    %max3A_348 = vector.broadcast %max3A : f32 to vector<2048x1xf32>
    %max3A_349 = arith.maximumf %sqrt3A, %max3A_348 : vector<2048x1xf32>
    %div3A_350 = vector.broadcast %max3A_349 : vector<2048x1xf32> to vector<2048x16xf32>
    %div3A_351 = arith.divf %sub3A, %div3A_350 : vector<2048x16xf32>
    %get3A_352 = arith.constant 0 : index
    %get3A_353 = arith.constant 0 : index
    %get3A_354 = vector.load %arg13[%get3A_352, %get3A_353] : memref<1x1xf32, #tpu.memory_space<vmem>>, vector<1x1xf32>
    %get3A_355 = vector.extract %get3A_354[0, 0] : f32 from vector<1x1xf32>
    %mul3A_356 = vector.broadcast %get3A_355 : f32 to vector<2048x16xf32>
    %mul3A_357 = arith.mulf %div3A_351, %mul3A_356 : vector<2048x16xf32>
    %mul3A_358 = arith.mulf %add3A_337, %tanh3A : vector<2048x8xf32>
    %get3A_359 = arith.constant 0 : index
    %get3A_360 = arith.constant 0 : index
    %get3A_361 = vector.load %arg14[%get3A_359, %get3A_360] : memref<1x8xf32, #tpu.memory_space<vmem>>, vector<1x8xf32>
    %mul3A_362 = vector.broadcast %get3A_361 : vector<1x8xf32> to vector<2048x8xf32>
    %mul3A_363 = arith.mulf %mul3A_358, %mul3A_362 : vector<2048x8xf32>
    %reduce_sum3A_364 = arith.constant dense<0.000000e+00> : vector<2048xf32>
    %reduce_sum3A_365 = vector.multi_reduction <add>, %mul3A_363, %reduce_sum3A_364 [1] : vector<2048x8xf32> to vector<2048xf32>
    %broadcast_in_dim3A_366 = vector.shape_cast %reduce_sum3A_365 : vector<2048xf32> to vector<2048x1xf32>
    %mul3A_367 = vector.broadcast %broadcast_in_dim3A_366 : vector<2048x1xf32> to vector<2048x16xf32>
    %mul3A_368 = arith.mulf %mul3A_367, %mul3A_357 : vector<2048x16xf32>
    %dot_general3A_369 = arith.constant dense<0.000000e+00> : vector<64x16xf32>
    %dot_general3A_370 = tpu.matmul %convert_element_type3A_247, %mul3A_368, %dot_general3A_369 {dimension_numbers = #tpu.dot_dimension_numbers<[1], [0], [0], [1], [0, 0, 1, 1], [], []>, transpose_lhs_hint = false} : vector<64x2048xf32>, vector<2048x16xf32>, vector<64x16xf32> -> vector<64x16xf32>
    %slice3A_371 = vector.extract_strided_slice %get3A_12 {offsets = [0, 0], sizes = [64, 3], strides = [1, 1]} : vector<64x16xf32> to vector<64x3xf32>
    %slice3A_372 = vector.extract_strided_slice %dot_general3A_370 {offsets = [0, 0], sizes = [64, 3], strides = [1, 1]} : vector<64x16xf32> to vector<64x3xf32>
    %add3A_373 = arith.addf %slice3A_371, %slice3A_372 : vector<64x3xf32>
    %swap3A_374 = arith.constant 0 : index
    %swap3A_375 = arith.constant 0 : index
    %swap3A_376 = vector.load %arg16[%swap3A_374, %swap3A_375] : memref<64x3xf32, #tpu.memory_space<vmem>>, vector<64x3xf32>
    tpu.vector_store %arg16[%swap3A_374, %swap3A_375], %add3A_373 {strides = array<i32>} : memref<64x3xf32, #tpu.memory_space<vmem>>, vector<64x3xf32>,
    return
  }
  func.func @transform_0(%arg0: i32) -> (i32, i32) {
    %c0_i32 = arith.constant 0 : i32
    %c0_i32_0 = arith.constant 0 : i32
    return %arg0, %c0_i32 : i32, i32
  }
  func.func @transform_1(%arg0: i32) -> (i32, i32) {
    %c0_i32 = arith.constant 0 : i32
    %c0_i32_0 = arith.constant 0 : i32
    return %arg0, %c0_i32 : i32, i32
  }
  func.func @transform_2(%arg0: i32) -> (i32, i32) {
    %c0_i32 = arith.constant 0 : i32
    %c0_i32_0 = arith.constant 0 : i32
    return %arg0, %c0_i32 : i32, i32
  }
  func.func @transform_3(%arg0: i32) -> (i32, i32) {
    %c0_i32 = arith.constant 0 : i32
    %c0_i32_0 = arith.constant 0 : i32
    return %arg0, %c0_i32 : i32, i32
  }
  func.func @transform_4(%arg0: i32) -> (i32, i32) {
    %c0_i32 = arith.constant 0 : i32
    %c0_i32_0 = arith.constant 0 : i32
    %c0_i32_1 = arith.constant 0 : i32
    return %c0_i32, %c0_i32_0 : i32, i32
  }
  func.func @transform_5(%arg0: i32) -> (i32, i32) {
    %c0_i32 = arith.constant 0 : i32
    %c0_i32_0 = arith.constant 0 : i32
    %c0_i32_1 = arith.constant 0 : i32
    return %c0_i32, %c0_i32_0 : i32, i32
  }
  func.func @transform_6(%arg0: i32) -> (i32, i32) {
    %c0_i32 = arith.constant 0 : i32
    %c0_i32_0 = arith.constant 0 : i32
    %c0_i32_1 = arith.constant 0 : i32
    return %c0_i32, %c0_i32_0 : i32, i32
  }
  func.func @transform_7(%arg0: i32) -> (i32, i32) {
    %c0_i32 = arith.constant 0 : i32
    %c0_i32_0 = arith.constant 0 : i32
    %c0_i32_1 = arith.constant 0 : i32
    return %c0_i32, %c0_i32_0 : i32, i32
  }
  func.func @transform_8(%arg0: i32) -> (i32, i32) {
    %c0_i32 = arith.constant 0 : i32
    %c0_i32_0 = arith.constant 0 : i32
    %c0_i32_1 = arith.constant 0 : i32
    return %c0_i32, %c0_i32_0 : i32, i32
  }
  func.func @transform_9(%arg0: i32) -> (i32, i32) {
    %c0_i32 = arith.constant 0 : i32
    %c0_i32_0 = arith.constant 0 : i32
    %c0_i32_1 = arith.constant 0 : i32
    return %c0_i32, %c0_i32_0 : i32, i32
  }
  func.func @transform_10(%arg0: i32) -> (i32, i32) {
    %c0_i32 = arith.constant 0 : i32
    %c0_i32_0 = arith.constant 0 : i32
    %c0_i32_1 = arith.constant 0 : i32
    return %c0_i32, %c0_i32_0 : i32, i32
  }
  func.func @transform_11(%arg0: i32) -> (i32, i32) {
    %c0_i32 = arith.constant 0 : i32
    %c0_i32_0 = arith.constant 0 : i32
    %c0_i32_1 = arith.constant 0 : i32
    return %c0_i32, %c0_i32_0 : i32, i32
  }
  func.func @transform_12(%arg0: i32) -> (i32, i32) {
    %c0_i32 = arith.constant 0 : i32
    %c0_i32_0 = arith.constant 0 : i32
    %c0_i32_1 = arith.constant 0 : i32
    return %c0_i32, %c0_i32_0 : i32, i32
  }
  func.func @transform_13(%arg0: i32) -> (i32, i32) {
    %c0_i32 = arith.constant 0 : i32
    %c0_i32_0 = arith.constant 0 : i32
    %c0_i32_1 = arith.constant 0 : i32
    return %c0_i32, %c0_i32_0 : i32, i32
  }
  func.func @transform_14(%arg0: i32) -> (i32, i32) {
    %c0_i32 = arith.constant 0 : i32
    %c0_i32_0 = arith.constant 0 : i32
    return %arg0, %c0_i32 : i32, i32
  }
  func.func @transform_15(%arg0: i32) -> (i32, i32) {
    %c0_i32 = arith.constant 0 : i32
    %c0_i32_0 = arith.constant 0 : i32
    return %arg0, %c0_i32 : i32, i32
  }
}

</mosaic_0001>

<sc_bundles>
// kernel: kernel.6.cloned.1.call-start
scs
__scs_entry_jumppad:
0x0: {  	(pc) =	sbr.rel $0x88, $3  }
0x1: {  	(tag) =	ssettag $0x0;
	lr =	simm.s32 $0x1  }
0x2: {  	[smem:$0x3F94] =	sst lr;
	_ =	strace $0xD0000000  }
0x3: {  	_ = 	snop  }
0x4: {  	_ = 	snop  }
0x5: {  	_ = 	snop  }
0x6: {  	_ = 	snop  }
0x7: {  	_ = 	snop  }
__scs_overlays_trampoline_lowered:
0x8: {  	[smem:$0x3FA3] =	sst s0  }
0x9: {  	[smem:$0x3FA4] =	sst s1  }
0xa: {  	[smem:$0x3FA5] =	sst s2  }
0xb: {  	[smem:$0x3FA6] =	sst s3  }
0xc: {  	[smem:$0x3FA7] =	sst s4  }
0xd: {  	[smem:$0x3FA8] =	sst s5  }
0xe: {  	[smem:$0x3FA9] =	sst s6  }
0xf: {  	[smem:$0x3FAA] =	sst s7  }
0x10: {  	[smem:$0x3FAB] =	sst s8  }
0x11: {  	[smem:$0x3FAC] =	sst s9;
	s0 =	simm.s32 @!p0 $0x0  }
0x12: {  	s1 =	sld [smem:$0x3F92];
	s0 =	simm.s32 @p0 $0x1  }
0x13: {  	[smem:$0x3FAD] =	sst s0;
	s0 =	simm.s32 @!p1 $0x0  }
0x14: {  	s2 =	sld [smem:$0x3F91];
	s0 =	simm.s32 @p1 $0x1  }
0x15: {  	[smem:$0x3FAE] =	sst s0;
	s0 =	simm.s32 @!p2 $0x0  }
0x16: {  	s3 =	sld [smem:$0x3FDB];
	s0 =	simm.s32 @p2 $0x1  }
0x17: {  	s4 =	simm.s32 $0x1BF5;
	[smem:$0x3FB0] =	sst s0  }
0x18: {  	s0 =	sld [smem:$0x3F93];
	_ =	swait.ge [sflag:s4], $0x0  }
0x19: {  	s7 =	sld [smem:$0x3F94]  }
0x1a: {  	s8 =	sadd.s32 $0xFFFFE003, lr  }
0x1b: {  	s9 =	sadd.s32 $0xFFFFFEF7, lr;
	s5 =	simm.s32 $0xFFFFFFFF;
	p2 =	slt.u32 s8, $0xFFFFF086  }
0x1c: {  	p1 =	slt.u32 s9, $0xF7A;
	s5 =	simm.s32 @!p2 $0x0  }
0x1d: {  	s5 =	simm.s32 @p1 $0x1;
	p0 =	seq.s32 s7, s2  }
0x1e: {  	s7 =	smul.u32 @!p0 $0xF7A, s2;
	p2 =	seq.s32 @!p0 s5, $0x0  }
0x1f: {  	s9 =	smul.u32 $0xF7A, s1;
	s8 =	simm.s32 @!p0 $0x1BF5;
	p2 =	por !p2, p0  }
0x20: {  	[sflag:s8] =	ssyncset.s32 @!p0 $0xFFFFF086;
	s6 =	sadd.s32 @!p0 s3, s7;
	s7 =	simm.s32 @!p0 $0x108  }
0x21: {  	s3 =	sadd.s32 s3, s9;
	s6 =	sadd.s32 @!p0 $0x88, s6;
	s7 =	simm.s32 @p2 $0x1082  }
0x22: {  	[simem:s7], [sflag:s8] =	dma.local @!p0 [hbm:s6], $0xF7A  }
0x23: {  	s9 =	sor.u32 $0xD0000000, s2;
	s6 =	simm.s32 $0x108;
	_ =	swait.ge @!p0 [sflag:s8], $0x0  }
0x24: {  	s3 =	sadd.s32 $0x88, s3;
	s6 =	simm.s32 @!p1 $0x1082;
	[sflag:s4] =	ssyncset.s32 $0xFFFFF086  }
0x25: {  	[simem:s6], [sflag:s4] =	dma.local [hbm:s3], $0xF7A  }
0x26: {  	[smem:$0x3F94] =	sst s1;
	(tag) =	ssettag s2;
	_ =	strace s9  }
0x27: {  	s1 =	sld [smem:$0x3FA4]  }
0x28: {  	s2 =	sld [smem:$0x3FA5]  }
0x29: {  	s4 =	sld [smem:$0x3FA7]  }
0x2a: {  	p0 =	seq.s32 s5, $0x0;
	s5 =	sld [smem:$0x3FA8]  }
0x2b: {  	s6 =	sld [smem:$0x3FA9]  }
0x2c: {  	s7 =	sld [smem:$0x3FAA]  }
0x2d: {  	s3 =	simm.s32 $0x108;
	s8 =	sld [smem:$0x3FAB]  }
0x2e: {  	s3 =	simm.s32 @!p0 $0x1082;
	s9 =	sld [smem:$0x3FAC]  }
0x2f: {  	lr =	sadd.s32 s0, s3;
	s0 =	sld [smem:$0x3FA3]  }
0x30: {  	s3 =	sld [smem:$0x3FA6]  }
0x31: {  	[smem:$0x3FAF] =	sst s10  }
0x32: {  	s10 =	sld [smem:$0x3FAD];
	_ =	sdelay $0x3  }
0x33: {  	p0 =	seq.s32 s10, $0x1;
	s10 =	sld [smem:$0x3FAF];
	_ =	sdelay $0x3  }
0x34: {  	[smem:$0x3FAF] =	sst s10  }
0x35: {  	s10 =	sld [smem:$0x3FAE];
	_ =	sdelay $0x3  }
0x36: {  	p1 =	seq.s32 s10, $0x1;
	s10 =	sld [smem:$0x3FAF];
	_ =	sdelay $0x3  }
0x37: {  	[smem:$0x3FAF] =	sst s10  }
0x38: {  	s10 =	sld [smem:$0x3FB0]  }
0x39: {  	_ = 	snop;
	(pc) =	sbr.ind lr, $3  }
0x3a: {  	_ = 	snop  }
0x3b: {  	_ = 	snop  }
0x3c: {  	p2 =	seq.s32 s10, $0x1;
	s10 =	sld [smem:$0x3FAF]  }
0x3d: {  	_ =	shalt  }
0x3e: {  	_ =	shalt  }
0x3f: {  	_ =	shalt  }
0x40: {  	_ =	shalt  }
0x41: {  	_ =	shalt  }
0x42: {  	_ =	shalt  }
0x43: {  	_ =	shalt  }
0x44: {  	_ =	shalt  }
0x45: {  	_ =	shalt  }
0x46: {  	_ =	shalt  }
0x47: {  	_ =	shalt  }
0x48: {  	_ =	shalt  }
0x49: {  	_ =	shalt  }
0x4a: {  	_ =	shalt  }
0x4b: {  	_ =	shalt  }
0x4c: {  	_ =	shalt  }
0x4d: {  	_ =	shalt  }
0x4e: {  	_ =	shalt  }
0x4f: {  	_ =	shalt  }
0x50: {  	_ =	shalt  }
0x51: {  	_ =	shalt  }
0x52: {  	_ =	shalt  }
0x53: {  	_ =	shalt  }
0x54: {  	_ =	shalt  }
0x55: {  	_ =	shalt  }
0x56: {  	_ =	shalt  }
0x57: {  	_ =	shalt  }
0x58: {  	_ =	shalt  }
0x59: {  	_ =	shalt  }
0x5a: {  	_ =	shalt  }
0x5b: {  	_ =	shalt  }
0x5c: {  	_ =	shalt  }
0x5d: {  	_ =	shalt  }
0x5e: {  	_ =	shalt  }
0x5f: {  	_ =	shalt  }
0x60: {  	_ =	shalt  }
0x61: {  	_ =	shalt  }
0x62: {  	_ =	shalt  }
0x63: {  	_ =	shalt  }
0x64: {  	_ =	shalt  }
0x65: {  	_ =	shalt  }
0x66: {  	_ =	shalt  }
0x67: {  	_ =	shalt  }
0x68: {  	_ =	shalt  }
0x69: {  	_ =	shalt  }
0x6a: {  	_ =	shalt  }
0x6b: {  	_ =	shalt  }
0x6c: {  	_ =	shalt  }
0x6d: {  	_ =	shalt  }
0x6e: {  	_ =	shalt  }
0x6f: {  	_ =	shalt  }
0x70: {  	_ =	shalt  }
0x71: {  	_ =	shalt  }
0x72: {  	_ =	shalt  }
0x73: {  	_ =	shalt  }
0x74: {  	_ =	shalt  }
0x75: {  	_ =	shalt  }
0x76: {  	_ =	shalt  }
0x77: {  	_ =	shalt  }
0x78: {  	_ =	shalt  }
0x79: {  	_ =	shalt  }
0x7a: {  	_ =	shalt  }
0x7b: {  	_ =	shalt  }
0x7c: {  	_ =	shalt  }
0x7d: {  	_ =	shalt  }
0x7e: {  	_ =	shalt  }
0x7f: {  	_ =	shalt  }
0x80: {  	_ =	shalt  }
0x81: {  	_ =	shalt  }
0x82: {  	_ =	shalt  }
0x83: {  	_ =	shalt  }
0x84: {  	_ =	shalt  }
0x85: {  	_ =	shalt  }
0x86: {  	_ =	shalt  }
0x87: {  	_ =	shalt  }
.Lfunc_end0:
.L_simem_size_0:
called_computation_lowered:
.L_overlay_start_0:
0x88: {  	s2 =	sld [smem:$0x3FD9]  }
0x89: {  	s3 =	sld [smem:$0x3FFE];
	_ =	sdelay $0x1  }
0x8a: {  	s1 =	srdreg.scid  }
0x8b: {  	s0 =	sand.u32 $0x1, s1  }
0x8c: {  	s14 =	sshll.u32 s0, $0xA;
	s2 =	sadd.s32 s3, s2  }
0x8d: {  	s2 =	sadd.s32 s2, s14  }
0x8e: {  	[smem:$0x3FBB] =	sst s2  }
0x8f: {  	_ = 	snop  }
0x90: {  	s2 =	sld [smem:$0x3FD0];
	_ =	sdelay $0x2  }
0x91: {  	s15 =	simm.s32 $0xA;
	s4 =	simm.s32 $0x10  }
0x92: {  	[smem:s4], [sflag:s15] =	dma.local [hbm:s2], $0x1  }
0x93: {  	_ =	swait.eq [sflag:s15], $0x1  }
0x94: {  	[sflag:s15] =	ssyncset.done $0x0  }
0x95: {  	[sflag:s15] =	ssyncadd.s32 $0xFFFFFFFF  }
0x96: {  	s16 =	sld [smem:$0x10];
	(tm) =	ssettm $0x1  }
0x97: {  	s17 =	sld [smem:$0x3FFB];
	_ =	sdelay $0x3  }
0x98: {  	_ =	strace s17  }
0x99: {  	s3 =	sld [smem:$0x3FFC];
	_ =	sdelay $0x3  }
0x9a: {  	_ =	strace s3  }
0x9b: {  	s3 =	sld [smem:$0x3FFD];
	_ =	sdelay $0x3  }
0x9c: {  	_ =	strace s3  }
0x9d: {  	_ =	strace $0x8FFFFFFF  }
0x9e: {  	s18 =	sld [smem:$0x3FDB];
	_ =	sdelay $0x1  }
0x9f: {  	s19 =	simm.s32 $_scs_section_size  }
0xa0: {  	s5 =	simm.s32 $_size__tile_overlayer_lowered;
	s6 =	simm.s32 $_tile_overlayer_lowered  }
0xa1: {  	s22 =	simm.s32 $0x1BFF;
	s21 =	sshll.u32 s6, $0x1;
	s3 =	sadd.s32 s19, s18  }
0xa2: {  	s7 =	simm.s32 $0x0;
	s20 =	sshll.u32 s5, $0x1;
	s5 =	sadd.s32 s21, s3  }
0xa3: {  	[timem:s7], [sflag:s22] =	dma.local [hbm:s5], s20  }
0xa4: {  	_ =	swait.ge [sflag:s22], s20  }
0xa5: {  	s4 =	ssub.s32 $0x0, s20;
	[sflag:s22] =	ssyncset.done $0x0  }
0xa6: {  	[sflag:s22] =	ssyncadd.s32 s4;
	_ =	sdelay $0x1  }
0xa7: {  	s23 =	simm.s32 $0x1B8B  }
0xa8: {  	_ =	swait.ge [sflag:s23], $0x1  }
0xa9: {  	[sflag:s23] =	ssyncset.done $0x0  }
0xaa: {  	s25 =	simm.s32 $0x1B8E;
	s24 =	sld [smem:$0x3FFE];
	[sflag:s23] =	ssyncadd.s32 $0xFFFFFFFF  }
0xab: {  	s26 =	simm.s32 $execute0_lowered;
	[smem:$0x3FD2] =	sst s25  }
0xac: {  	s5 =	sshll.u32 s26, $0x1;
	_ =	strace $0x80000046;
	[dreg:$0x1] =	wrdreg $0xFFFFFFFF  }
0xad: {  	s28 =	simm.s32 $_size_execute0_lowered;
	s3 =	sadd.s32 s3, s5;
	[dreg:$0x0] =	wrdreg $0x0  }
0xae: {  	s5 =	sshll.u32 s28, $0x1;
	[dreg:$0x2] =	wrdreg s3  }
0xaf: {  	[dreg:$0x3] =	wrdreg s5  }
0xb0: {  	[dreg:$0x4] =	wrdreg $0xC0  }
0xb1: {  	_ =	task [dreg:s7], $0x5FFFF  }
0xb2: {  	[dreg:$0x1] =	wrdreg $0xFFFFFFFF  }
0xb3: {  	[dreg:$0x0] =	wrdreg $0x60  }
0xb4: {  	[dreg:$0x2] =	wrdreg s16  }
0xb5: {  	[dreg:$0x3] =	wrdreg s24  }
0xb6: {  	[dreg:$0x4] =	wrdreg $0x9  }
0xb7: {  	_ =	task.clear_ibuf [dreg:s7], $0x5FFFF;
	_ =	strace $0x90000046  }
0xb8: {  	s29 =	simm.s32 $0x9;
	_ =	strace $0x80000048  }
0xb9: {  	_ =	swait.ge [sflag:s29], $0x1  }
0xba: {  	[sflag:s29] =	ssyncadd.s32 $0xFFFFFFFF  }
0xbb: {  	_ =	strace $0x90000048  }
0xbc: {  	_ =	sfence  }
0xbd: {  	s30 =	sld [smem:$0x0];
	_ =	sdelay $0x2  }
0xbe: {  	s31 =	sshll.u32 s1, $0xD;
	s1 =	sshrl.u32 s1, $0x2  }
0xbf: {  	s3 =	sand.u32 $0x4000, s31;
	s1 =	sadd.s32 s1, s30  }
0xc0: {  	s0 =	sor.u32 s3, s0;
	s1 =	sshll.u32 s1, $0x11  }
0xc1: {  	s0 =	sor.u32 s1, s0  }
0xc2: {  	s0 =	sadd.s32 $0x8F2B, s0  }
0xc3: {  	[sflag:s0] =	ssyncadd.remote.s32 $0x1  }
0xc4: {  	_ =	sfence.sel $0xFFFF  }
0xc5: {  	[dreg:$0x0] =	wrdreg $0xFFFFFFFF;
	(pc) =	sbr.abs _section_cstart, $3  }
0xc6: {  	[dreg:$0x1] =	wrdreg $0xFFFFFFFF  }
0xc7: {  	_ =	task.clear_ibuf [dreg:s7], $0x2FFFF;
	_ =	strace $0x9FFFFFFF  }
0xc8: {  	(tm) =	ssettm $0x7FFFFFFF  }
0xc9: {  	_ =	shalt  }
tec
execute0_lowered:
.L_overlay_start_1:
0x0: {  	(tag) =	ssettag $0x1  }
0x1: {  	s1 =	rddreg [dreg:$0x0]  }
0x2: {  	s0 =	rddreg [dreg:$0x1];
	s3 =	simm.s32 $0x0;
	s8 =	stileid.u32  }
0x3: {  	s5 =	srdreg.scid;
	s12 =	simm.s32 $0x5;
	s13 =	simm.s32 $0x100  }
0x4: {  	s30 =	simm.s32 $0x40;
	s31 =	simm.s32 $0x10100;
	s14 =	simm.s32 $0x8900  }
0x5: {  	s15 =	simm.s32 $0xB900;
	s16 =	simm.s32 $0xC100;
	s17 =	simm.s32 $0xC900  }
0x6: {  	s28 =	simm.s32 $0x3;
	s29 =	simm.s32 $0x4;
	[smem:$0x7FF] =	sst s3  }
0x7: {  	s4 =	sadd.s32 $0x6200, s0;
	s2 =	sshll.u32 s8, $0x13;
	s7 =	sadd.s32 $0x2200, s0  }
0x8: {  	s5 =	sand.u32 $0x1, s5;
	s6 =	sshll.u32 s8, $0x11;
	s8 =	sshll.u32 s8, $0xD  }
0x9: {  	_ =	strace $0x80000047;
	s2 =	sadd.s32 s2, s0;
	s9 =	sshll.u32 s5, $0xC  }
0xa: {  	s0 =	sadd.s32 s6, s0;
	s18 =	ssub.s32 $0x2, s5;
	s11 =	sshll.u32 s5, $0x12  }
0xb: {  	s6 =	sadd.s32 $0x100, s1;
	s21 =	sshll.u32 s5, $0x10;
	s9 =	sor.u32 s9, s8  }
0xc: {  	s19 =	sshrl.u32 s18, $0x1;
	s2 =	sadd.s32 s11, s2;
	s0 =	sadd.s32 s21, s0  }
0xd: {  	s21 =	simm.s32 $0xE900;
	s10 =	sshrl.u32 s9, $0x3;
	s8 =	ssub.s32 s18, s19  }
0xe: {  	s22 =	sor.u32 $0x40, s9;
	s9 =	sor.u32 $0x80, s9;
	s0 =	sadd.s32 $0x816200, s0  }
0xf: {  	s18 =	simm.s32 $0xD100;
	s19 =	simm.s32 $0xD900;
	s20 =	sadd.s32 s7, s10  }
0x10: {  	s8 =	smax.u32 s8, $0x1;
	s23 =	sshrl.u32 s22, $0x3;
	[dreg:$0x5] =	wrdreg s0  }
0x11: {  	s24 =	sshrl.u32 s9, $0x3;
	s0 =	simm.s32 $0x80;
	[dreg:$0x3] =	wrdreg s20  }
.Ltmp0:
0x12: {  	s22 =	simm.s32 $0xF100;
	[dreg:$0x4] =	wrdreg s8;
	(pc) =	sbr.rel .LBB2_1-.Ltmp0, $4  }
0x13: {  	s8 =	sadd.s32 $0x16200, s2;
	s25 =	sadd.s32 s23, s7;
	s26 =	sadd.s32 s24, s7  }
0x14: {  	v2 =	vlaneseq.u32;
	s2 =	simm.s32 $0x8100;
	s20 =	simm.s32 $0xE100;
	s23 =	simm.s32 $0xF900  }
0x15: {  	vm0 =	vmmov $0xffff;
	v1 =	vshrl.u32 v2, $0x3;
	s24 =	simm.s32 $0x12100;
	s7 =	simm.s32 $0x0;
	[dreg:$0x6] =	wrdreg s25  }
0x16: {  	v0 =	vand.u32 $0x7, v2;
	v2 =	vor.u32 $0x8, v2;
	v1 =	vmul.u32 $0x8, v1;
	[dreg:$0x7] =	wrdreg s26;
	s25 =	simm.s32 $0x1;
	s26 =	simm.s32 $0x2  }
.LBB2_5:
0x17: {  	s7 =	rddreg [dreg:$0x8]  }
0x18: {  	s5 =	rddreg [dreg:$0x4];
	s7 =	sadd.s32 $0x1, s7  }
0x19: {  	p0 =	sne.s32 s7, s5  }
.Ltmp1:
0x1a: {  	_ = 	snop;
	(pc) =	sbr.rel @!p0 .LBB2_6-.Ltmp1, $1  }
0x1b: {  	_ =	sdelay $0x3  }
.LBB2_1:
0x1c: {  	[dreg:$0x8] =	wrdreg s7  }
0x1d: {  	s5 =	rddreg [dreg:$0x3]  }
0x1e: {  	[tilespmem:s3], [sflag:$0x5] =	stream.linear.gather [hbm4b:s5+s3], $0x40, $0x38;
	[tilespmem:$0x14100] =	vst v63  }
0x1f: {  	_ =	swait.ge [sflag:s12], $0x40  }
0x20: {  	[sflag:s12] =	ssyncset.done $0x0  }
0x21: {  	[sflag:s12] =	ssyncadd.s32 $0xFFFFFFC0  }
0x22: {  	v3 =	vld [tilespmem:$0x0];
	_ =	sdelay $0x4  }
0x23: {  	v4 =	vshll.u32 v3, $0x2  }
0x24: {  	v3 =	vand.u32 $0x7, v3;
	v4 =	vand.u32 $0xFFFFFFE0, v4  }
0x25: {  	v3 =	vor.u32 v3, v4  }
0x26: {  	v4 =	vperm.xlane v3, v0;
	_ =	sdelay $0x1  }
0x27: {  	v4 =	vadd.s32 v1, v4;
	_ =	sdelay $0x1  }
0x28: {  	v3 =	vperm.xlane v3, v2;
	_ =	sdelay $0x1  }
0x29: {  	v3 =	vadd.s32 v1, v3  }
0x2a: {  	[tilespmem:s13], [sflag:$0x1] =	stream.indirect_vreg.gather [hbm4b:s1+s3], $0x80, v4, vm0, $0xb8;
	[tilespmem:$0x14100] =	vst v63  }
0x2b: {  	s9 =	simm.s32 $0x900  }
0x2c: {  	[tilespmem:s9], [sflag:$0x1] =	stream.indirect_vreg.gather [hbm4b:s6+s3], $0x80, v4, vm0, $0xb8;
	[tilespmem:$0x14100] =	vst v63  }
0x2d: {  	s10 =	simm.s32 $0x1100  }
0x2e: {  	[tilespmem:s10], [sflag:$0x1] =	stream.indirect_vreg.gather [hbm4b:s1+s3], $0x80, v3, vm0, $0xb8;
	[tilespmem:$0x14100] =	vst v63  }
0x2f: {  	s11 =	simm.s32 $0x1900  }
0x30: {  	[tilespmem:s11], [sflag:$0x1] =	stream.indirect_vreg.gather [hbm4b:s6+s3], $0x80, v3, vm0, $0xb8;
	[tilespmem:$0x14100] =	vst v63  }
0x31: {  	v3 =	vld [tilespmem:$0x10];
	_ =	sdelay $0x4  }
0x32: {  	v61 =	vshll.u32 v3, $0x2  }
0x33: {  	v3 =	vand.u32 $0x7, v3;
	v4 =	vand.u32 $0xFFFFFFE0, v61  }
0x34: {  	v3 =	vor.u32 v3, v4  }
0x35: {  	v4 =	vperm.xlane v3, v0;
	_ =	sdelay $0x1  }
0x36: {  	v4 =	vadd.s32 v1, v4;
	_ =	sdelay $0x1  }
0x37: {  	v3 =	vperm.xlane v3, v2;
	_ =	sdelay $0x1  }
0x38: {  	s7 =	simm.s32 $0x2100;
	v3 =	vadd.s32 v1, v3  }
0x39: {  	[tilespmem:s7], [sflag:$0x1] =	stream.indirect_vreg.gather [hbm4b:s1+s3], $0x80, v4, vm0, $0xb8;
	[tilespmem:$0x14100] =	vst v63  }
0x3a: {  	s9 =	simm.s32 $0x2900  }
0x3b: {  	[tilespmem:s9], [sflag:$0x1] =	stream.indirect_vreg.gather [hbm4b:s6+s3], $0x80, v4, vm0, $0xb8;
	[tilespmem:$0x14100] =	vst v63  }
0x3c: {  	s10 =	simm.s32 $0x3100  }
0x3d: {  	[tilespmem:s10], [sflag:$0x1] =	stream.indirect_vreg.gather [hbm4b:s1+s3], $0x80, v3, vm0, $0xb8;
	[tilespmem:$0x14100] =	vst v63  }
0x3e: {  	s11 =	simm.s32 $0x3900  }
0x3f: {  	[tilespmem:s11], [sflag:$0x1] =	stream.indirect_vreg.gather [hbm4b:s6+s3], $0x80, v3, vm0, $0xb8;
	[tilespmem:$0x14100] =	vst v63  }
0x40: {  	v3 =	vld [tilespmem:$0x20];
	_ =	sdelay $0x4  }
0x41: {  	v62 =	vshll.u32 v3, $0x2  }
0x42: {  	v3 =	vand.u32 $0x7, v3;
	v4 =	vand.u32 $0xFFFFFFE0, v62  }
0x43: {  	v3 =	vor.u32 v3, v4  }
0x44: {  	v4 =	vperm.xlane v3, v0;
	_ =	sdelay $0x1  }
0x45: {  	v4 =	vadd.s32 v1, v4;
	_ =	sdelay $0x1  }
0x46: {  	v3 =	vperm.xlane v3, v2;
	_ =	sdelay $0x1  }
0x47: {  	s7 =	simm.s32 $0x4100;
	v3 =	vadd.s32 v1, v3  }
0x48: {  	[tilespmem:s7], [sflag:$0x1] =	stream.indirect_vreg.gather [hbm4b:s1+s3], $0x80, v4, vm0, $0xb8;
	[tilespmem:$0x14100] =	vst v63  }
0x49: {  	s9 =	simm.s32 $0x4900  }
0x4a: {  	[tilespmem:s9], [sflag:$0x1] =	stream.indirect_vreg.gather [hbm4b:s6+s3], $0x80, v4, vm0, $0xb8;
	[tilespmem:$0x14100] =	vst v63  }
0x4b: {  	s10 =	simm.s32 $0x5100  }
0x4c: {  	[tilespmem:s10], [sflag:$0x1] =	stream.indirect_vreg.gather [hbm4b:s1+s3], $0x80, v3, vm0, $0xb8;
	[tilespmem:$0x14100] =	vst v63  }
0x4d: {  	s11 =	simm.s32 $0x5900  }
0x4e: {  	[tilespmem:s11], [sflag:$0x1] =	stream.indirect_vreg.gather [hbm4b:s6+s3], $0x80, v3, vm0, $0xb8;
	[tilespmem:$0x14100] =	vst v63  }
0x4f: {  	v3 =	vld [tilespmem:$0x30];
	_ =	sdelay $0x4  }
0x50: {  	v63 =	vshll.u32 v3, $0x2  }
0x51: {  	v3 =	vand.u32 $0x7, v3;
	v4 =	vand.u32 $0xFFFFFFE0, v63  }
0x52: {  	v3 =	vor.u32 v3, v4  }
0x53: {  	v4 =	vperm.xlane v3, v0;
	_ =	sdelay $0x1  }
0x54: {  	v4 =	vadd.s32 v1, v4;
	_ =	sdelay $0x1  }
0x55: {  	v3 =	vperm.xlane v3, v2;
	_ =	sdelay $0x1  }
0x56: {  	s7 =	simm.s32 $0x6100;
	v3 =	vadd.s32 v1, v3  }
0x57: {  	[tilespmem:s7], [sflag:$0x1] =	stream.indirect_vreg.gather [hbm4b:s1+s3], $0x80, v4, vm0, $0xb8;
	[tilespmem:$0x14100] =	vst v63  }
0x58: {  	s9 =	simm.s32 $0x6900  }
0x59: {  	[tilespmem:s9], [sflag:$0x1] =	stream.indirect_vreg.gather [hbm4b:s6+s3], $0x80, v4, vm0, $0xb8;
	[tilespmem:$0x14100] =	vst v63  }
0x5a: {  	s10 =	simm.s32 $0x7100  }
0x5b: {  	[tilespmem:s10], [sflag:$0x1] =	stream.indirect_vreg.gather [hbm4b:s1+s3], $0x80, v3, vm0, $0xb8;
	[tilespmem:$0x14100] =	vst v63  }
.Ltmp2:
0x5c: {  	s5 =	rddreg [dreg:$0x7];
	(pc) =	sbr.rel .LBB2_2-.Ltmp2, $4  }
0x5d: {  	s11 =	simm.s32 $0x7900;
	s7 =	rddreg [dreg:$0x6]  }
0x5e: {  	[tilespmem:s11], [sflag:$0x1] =	stream.indirect_vreg.gather [hbm4b:s6+s3], $0x80, v3, vm0, $0xb8;
	[tilespmem:$0x14100] =	vst v63  }
0x5f: {  	s9 =	rddreg [dreg:$0x5];
	s10 =	simm.s32 $0x0  }
0x60: {  	[tilespmem:s31], [sflag:$0x2] =	stream.indirect.gather [hbm4b:s4+s30], $0x80, s3, s30, $0xb8;
	[tilespmem:$0x14100] =	vst v63  }
.LBB2_4:
0x61: {  	_ =	swait.ge [sflag:s28], $0x8000  }
0x62: {  	[sflag:s28] =	ssyncset.done $0x0  }
0x63: {  	[sflag:s28] =	ssyncadd.s32 $0xFFFF8000  }
0x64: {  	_ =	swait.ge [sflag:s29], $0x2000  }
0x65: {  	[sflag:s29] =	ssyncset.done $0x0  }
0x66: {  	s11 =	sadd.s32 $0x1000, s11;
	[sflag:s29] =	ssyncadd.s32 $0xFFFFE000  }
0x67: {  	[hbm4b:s11+s3] =	stream.linear.scatter [tilespmem:s2], [sflag:$0x5], $0x8000, $0x38;
	[tilespmem:$0x14100] =	vst v63  }
0x68: {  	s10 =	sadd.s32 $0x2000, s10;
	_ =	swait.ge [sflag:s12], $0x8000  }
0x69: {  	p0 =	sne.s32 s10, $0x40000;
	[sflag:s12] =	ssyncset.done $0x0  }
.Ltmp3:
0x6a: {  	s11 =	sadd.s32 $0x400, s9;
	[sflag:s12] =	ssyncadd.s32 $0xFFFF8000;
	(pc) =	sbr.rel @!p0 .LBB2_5-.Ltmp3, $4  }
0x6b: {  	[hbm4b:s11+s3] =	stream.linear.scatter [tilespmem:s24], [sflag:$0x5], $0x2000, $0x38;
	[tilespmem:$0x14100] =	vst v63  }
0x6c: {  	_ =	swait.ge [sflag:s12], $0x2000  }
0x6d: {  	s7 =	sadd.s32 $0x10, s7;
	[sflag:s12] =	ssyncset.done $0x0  }
0x6e: {  	s5 =	sadd.s32 $0x10, s5;
	s9 =	sadd.s32 $0x800, s9;
	[sflag:s12] =	ssyncadd.s32 $0xFFFFE000  }
.LBB2_2:
0x6f: {  	[tilespmem:s0], [sflag:$0x5] =	stream.linear.gather [hbm4b:s7+s3], $0x40, $0x38;
	[tilespmem:$0x14100] =	vst v63  }
0x70: {  	_ =	swait.ge [sflag:s12], $0x40  }
0x71: {  	[sflag:s12] =	ssyncset.done $0x0  }
0x72: {  	[sflag:s12] =	ssyncadd.s32 $0xFFFFFFC0  }
0x73: {  	v3 =	vld [tilespmem:$0x80];
	_ =	sdelay $0x4  }
0x74: {  	v4 =	vshll.u32 v3, $0x2  }
0x75: {  	v3 =	vand.u32 $0x7, v3;
	v4 =	vand.u32 $0xFFFFFFE0, v4  }
0x76: {  	v3 =	vor.u32 v3, v4  }
0x77: {  	v4 =	vperm.xlane v3, v0;
	_ =	sdelay $0x1  }
0x78: {  	v4 =	vadd.s32 v1, v4;
	_ =	sdelay $0x1  }
0x79: {  	v3 =	vperm.xlane v3, v2;
	_ =	sdelay $0x1  }
0x7a: {  	v3 =	vadd.s32 v1, v3  }
0x7b: {  	[tilespmem:s2], [sflag:$0x3] =	stream.indirect_vreg.gather [hbm4b:s1+s3], $0x80, v4, vm0, $0xb8;
	[tilespmem:$0x14100] =	vst v63  }
0x7c: {  	_ = 	snop  }
0x7d: {  	[tilespmem:s14], [sflag:$0x3] =	stream.indirect_vreg.gather [hbm4b:s6+s3], $0x80, v4, vm0, $0xb8;
	[tilespmem:$0x14100] =	vst v63  }
0x7e: {  	s11 =	simm.s32 $0x9100  }
0x7f: {  	[tilespmem:s11], [sflag:$0x3] =	stream.indirect_vreg.gather [hbm4b:s1+s3], $0x80, v3, vm0, $0xb8;
	[tilespmem:$0x14100] =	vst v63  }
0x80: {  	s11 =	simm.s32 $0x9900  }
0x81: {  	[tilespmem:s11], [sflag:$0x3] =	stream.indirect_vreg.gather [hbm4b:s6+s3], $0x80, v3, vm0, $0xb8;
	[tilespmem:$0x14100] =	vst v63  }
0x82: {  	v3 =	vld [tilespmem:$0x90];
	_ =	sdelay $0x4  }
0x83: {  	v61 =	vshll.u32 v3, $0x2  }
0x84: {  	v3 =	vand.u32 $0x7, v3;
	v4 =	vand.u32 $0xFFFFFFE0, v61  }
0x85: {  	v3 =	vor.u32 v3, v4  }
0x86: {  	v4 =	vperm.xlane v3, v0;
	_ =	sdelay $0x1  }
0x87: {  	v4 =	vadd.s32 v1, v4;
	_ =	sdelay $0x1  }
0x88: {  	v3 =	vperm.xlane v3, v2;
	_ =	sdelay $0x1  }
0x89: {  	s11 =	simm.s32 $0xA100;
	v3 =	vadd.s32 v1, v3  }
0x8a: {  	[tilespmem:s11], [sflag:$0x3] =	stream.indirect_vreg.gather [hbm4b:s1+s3], $0x80, v4, vm0, $0xb8;
	[tilespmem:$0x14100] =	vst v63  }
0x8b: {  	s11 =	simm.s32 $0xA900  }
0x8c: {  	[tilespmem:s11], [sflag:$0x3] =	stream.indirect_vreg.gather [hbm4b:s6+s3], $0x80, v4, vm0, $0xb8;
	[tilespmem:$0x14100] =	vst v63  }
0x8d: {  	s11 =	simm.s32 $0xB100  }
0x8e: {  	[tilespmem:s11], [sflag:$0x3] =	stream.indirect_vreg.gather [hbm4b:s1+s3], $0x80, v3, vm0, $0xb8;
	[tilespmem:$0x14100] =	vst v63  }
0x8f: {  	_ = 	snop  }
0x90: {  	[tilespmem:s15], [sflag:$0x3] =	stream.indirect_vreg.gather [hbm4b:s6+s3], $0x80, v3, vm0, $0xb8;
	[tilespmem:$0x14100] =	vst v63  }
0x91: {  	v3 =	vld [tilespmem:$0xA0];
	_ =	sdelay $0x4  }
0x92: {  	v62 =	vshll.u32 v3, $0x2  }
0x93: {  	v3 =	vand.u32 $0x7, v3;
	v4 =	vand.u32 $0xFFFFFFE0, v62  }
0x94: {  	v3 =	vor.u32 v3, v4  }
0x95: {  	v4 =	vperm.xlane v3, v0;
	_ =	sdelay $0x1  }
0x96: {  	v4 =	vadd.s32 v1, v4;
	_ =	sdelay $0x1  }
0x97: {  	v3 =	vperm.xlane v3, v2;
	_ =	sdelay $0x1  }
0x98: {  	v3 =	vadd.s32 v1, v3  }
0x99: {  	[tilespmem:s16], [sflag:$0x3] =	stream.indirect_vreg.gather [hbm4b:s1+s3], $0x80, v4, vm0, $0xb8;
	[tilespmem:$0x14100] =	vst v63  }
0x9a: {  	_ = 	snop  }
0x9b: {  	[tilespmem:s17], [sflag:$0x3] =	stream.indirect_vreg.gather [hbm4b:s6+s3], $0x80, v4, vm0, $0xb8;
	[tilespmem:$0x14100] =	vst v63  }
0x9c: {  	_ = 	snop  }
0x9d: {  	[tilespmem:s18], [sflag:$0x3] =	stream.indirect_vreg.gather [hbm4b:s1+s3], $0x80, v3, vm0, $0xb8;
	[tilespmem:$0x14100] =	vst v63  }
0x9e: {  	_ = 	snop  }
0x9f: {  	[tilespmem:s19], [sflag:$0x3] =	stream.indirect_vreg.gather [hbm4b:s6+s3], $0x80, v3, vm0, $0xb8;
	[tilespmem:$0x14100] =	vst v63  }
0xa0: {  	v3 =	vld [tilespmem:$0xB0];
	_ =	sdelay $0x4  }
0xa1: {  	v63 =	vshll.u32 v3, $0x2  }
0xa2: {  	v3 =	vand.u32 $0x7, v3;
	v4 =	vand.u32 $0xFFFFFFE0, v63  }
0xa3: {  	v3 =	vor.u32 v3, v4  }
0xa4: {  	v4 =	vperm.xlane v3, v0;
	_ =	sdelay $0x1  }
0xa5: {  	v4 =	vadd.s32 v1, v4;
	_ =	sdelay $0x1  }
0xa6: {  	v3 =	vperm.xlane v3, v2;
	_ =	sdelay $0x1  }
0xa7: {  	v3 =	vadd.s32 v1, v3  }
0xa8: {  	[tilespmem:s20], [sflag:$0x3] =	stream.indirect_vreg.gather [hbm4b:s1+s3], $0x80, v4, vm0, $0xb8;
	[tilespmem:$0x14100] =	vst v63  }
0xa9: {  	_ = 	snop  }
0xaa: {  	[tilespmem:s21], [sflag:$0x3] =	stream.indirect_vreg.gather [hbm4b:s6+s3], $0x80, v4, vm0, $0xb8;
	[tilespmem:$0x14100] =	vst v63  }
0xab: {  	_ = 	snop  }
0xac: {  	[tilespmem:s22], [sflag:$0x3] =	stream.indirect_vreg.gather [hbm4b:s1+s3], $0x80, v3, vm0, $0xb8;
	[tilespmem:$0x14100] =	vst v63  }
0xad: {  	_ = 	snop  }
0xae: {  	[tilespmem:s23], [sflag:$0x3] =	stream.indirect_vreg.gather [hbm4b:s6+s3], $0x80, v3, vm0, $0xb8;
	[tilespmem:$0x14100] =	vst v63  }
0xaf: {  	_ = 	snop  }
0xb0: {  	[tilespmem:s24], [sflag:$0x4] =	stream.indirect.gather [hbm4b:s4+s30], $0x80, s0, s30, $0xb8;
	[tilespmem:$0x14100] =	vst v63  }
0xb1: {  	_ =	swait.ge [sflag:s25], $0x8000  }
0xb2: {  	[sflag:s25] =	ssyncset.done $0x0  }
0xb3: {  	[sflag:s25] =	ssyncadd.s32 $0xFFFF8000  }
0xb4: {  	_ =	swait.ge [sflag:s26], $0x2000  }
0xb5: {  	[sflag:s26] =	ssyncset.done $0x0  }
0xb6: {  	s11 =	sadd.s32 s10, s8;
	[sflag:s26] =	ssyncadd.s32 $0xFFFFE000  }
0xb7: {  	[hbm4b:s11+s3] =	stream.linear.scatter [tilespmem:s13], [sflag:$0x5], $0x8000, $0x38;
	[tilespmem:$0x14100] =	vst v63  }
0xb8: {  	_ =	swait.ge [sflag:s12], $0x8000  }
0xb9: {  	p0 =	seq.s32 s10, $0x3E000;
	[sflag:s12] =	ssyncset.done $0x0  }
.Ltmp4:
0xba: {  	[sflag:s12] =	ssyncadd.s32 $0xFFFF8000;
	(pc) =	sbr.rel @p0 .LBB2_4-.Ltmp4, $4  }
0xbb: {  	[hbm4b:s9+s3] =	stream.linear.scatter [tilespmem:s31], [sflag:$0x5], $0x2000, $0x38;
	[tilespmem:$0x14100] =	vst v63  }
0xbc: {  	_ =	swait.ge [sflag:s12], $0x2000  }
0xbd: {  	[sflag:s12] =	ssyncset.done $0x0  }
0xbe: {  	[sflag:s12] =	ssyncadd.s32 $0xFFFFE000  }
0xbf: {  	[tilespmem:s3], [sflag:$0x5] =	stream.linear.gather [hbm4b:s5+s3], $0x40, $0x38;
	[tilespmem:$0x14100] =	vst v63  }
0xc0: {  	_ =	swait.ge [sflag:s12], $0x40  }
0xc1: {  	[sflag:s12] =	ssyncset.done $0x0  }
0xc2: {  	[sflag:s12] =	ssyncadd.s32 $0xFFFFFFC0  }
0xc3: {  	v3 =	vld [tilespmem:$0x0];
	_ =	sdelay $0x4  }
0xc4: {  	v4 =	vshll.u32 v3, $0x2  }
0xc5: {  	v3 =	vand.u32 $0x7, v3;
	v4 =	vand.u32 $0xFFFFFFE0, v4  }
0xc6: {  	v3 =	vor.u32 v3, v4  }
0xc7: {  	v4 =	vperm.xlane v3, v0;
	_ =	sdelay $0x1  }
0xc8: {  	v4 =	vadd.s32 v1, v4;
	_ =	sdelay $0x1  }
0xc9: {  	v3 =	vperm.xlane v3, v2;
	_ =	sdelay $0x1  }
0xca: {  	v3 =	vadd.s32 v1, v3  }
0xcb: {  	[tilespmem:s13], [sflag:$0x1] =	stream.indirect_vreg.gather [hbm4b:s1+s3], $0x80, v4, vm0, $0xb8;
	[tilespmem:$0x14100] =	vst v63  }
0xcc: {  	s14 =	simm.s32 $0x900  }
0xcd: {  	[tilespmem:s14], [sflag:$0x1] =	stream.indirect_vreg.gather [hbm4b:s6+s3], $0x80, v4, vm0, $0xb8;
	[tilespmem:$0x14100] =	vst v63  }
0xce: {  	s14 =	simm.s32 $0x1100  }
0xcf: {  	[tilespmem:s14], [sflag:$0x1] =	stream.indirect_vreg.gather [hbm4b:s1+s3], $0x80, v3, vm0, $0xb8;
	[tilespmem:$0x14100] =	vst v63  }
0xd0: {  	s14 =	simm.s32 $0x1900  }
0xd1: {  	[tilespmem:s14], [sflag:$0x1] =	stream.indirect_vreg.gather [hbm4b:s6+s3], $0x80, v3, vm0, $0xb8;
	[tilespmem:$0x14100] =	vst v63  }
0xd2: {  	v3 =	vld [tilespmem:$0x10];
	_ =	sdelay $0x4  }
0xd3: {  	v61 =	vshll.u32 v3, $0x2  }
0xd4: {  	v3 =	vand.u32 $0x7, v3;
	v4 =	vand.u32 $0xFFFFFFE0, v61  }
0xd5: {  	v3 =	vor.u32 v3, v4  }
0xd6: {  	v4 =	vperm.xlane v3, v0;
	_ =	sdelay $0x1  }
0xd7: {  	v4 =	vadd.s32 v1, v4;
	_ =	sdelay $0x1  }
0xd8: {  	v3 =	vperm.xlane v3, v2;
	_ =	sdelay $0x1  }
0xd9: {  	s14 =	simm.s32 $0x2100;
	v3 =	vadd.s32 v1, v3  }
0xda: {  	[tilespmem:s14], [sflag:$0x1] =	stream.indirect_vreg.gather [hbm4b:s1+s3], $0x80, v4, vm0, $0xb8;
	[tilespmem:$0x14100] =	vst v63  }
0xdb: {  	s14 =	simm.s32 $0x2900  }
0xdc: {  	[tilespmem:s14], [sflag:$0x1] =	stream.indirect_vreg.gather [hbm4b:s6+s3], $0x80, v4, vm0, $0xb8;
	[tilespmem:$0x14100] =	vst v63  }
0xdd: {  	s14 =	simm.s32 $0x3100  }
0xde: {  	[tilespmem:s14], [sflag:$0x1] =	stream.indirect_vreg.gather [hbm4b:s1+s3], $0x80, v3, vm0, $0xb8;
	[tilespmem:$0x14100] =	vst v63  }
0xdf: {  	s14 =	simm.s32 $0x3900  }
0xe0: {  	[tilespmem:s14], [sflag:$0x1] =	stream.indirect_vreg.gather [hbm4b:s6+s3], $0x80, v3, vm0, $0xb8;
	[tilespmem:$0x14100] =	vst v63  }
0xe1: {  	v3 =	vld [tilespmem:$0x20];
	_ =	sdelay $0x4  }
0xe2: {  	v62 =	vshll.u32 v3, $0x2  }
0xe3: {  	v3 =	vand.u32 $0x7, v3;
	v4 =	vand.u32 $0xFFFFFFE0, v62  }
0xe4: {  	v3 =	vor.u32 v3, v4  }
0xe5: {  	v4 =	vperm.xlane v3, v0;
	_ =	sdelay $0x1  }
0xe6: {  	v4 =	vadd.s32 v1, v4;
	_ =	sdelay $0x1  }
0xe7: {  	v3 =	vperm.xlane v3, v2;
	_ =	sdelay $0x1  }
0xe8: {  	s14 =	simm.s32 $0x4100;
	v3 =	vadd.s32 v1, v3  }
0xe9: {  	[tilespmem:s14], [sflag:$0x1] =	stream.indirect_vreg.gather [hbm4b:s1+s3], $0x80, v4, vm0, $0xb8;
	[tilespmem:$0x14100] =	vst v63  }
0xea: {  	s14 =	simm.s32 $0x4900  }
0xeb: {  	[tilespmem:s14], [sflag:$0x1] =	stream.indirect_vreg.gather [hbm4b:s6+s3], $0x80, v4, vm0, $0xb8;
	[tilespmem:$0x14100] =	vst v63  }
0xec: {  	s14 =	simm.s32 $0x5100  }
0xed: {  	[tilespmem:s14], [sflag:$0x1] =	stream.indirect_vreg.gather [hbm4b:s1+s3], $0x80, v3, vm0, $0xb8;
	[tilespmem:$0x14100] =	vst v63  }
0xee: {  	s14 =	simm.s32 $0x5900  }
0xef: {  	[tilespmem:s14], [sflag:$0x1] =	stream.indirect_vreg.gather [hbm4b:s6+s3], $0x80, v3, vm0, $0xb8;
	[tilespmem:$0x14100] =	vst v63  }
0xf0: {  	v3 =	vld [tilespmem:$0x30];
	_ =	sdelay $0x4  }
0xf1: {  	v63 =	vshll.u32 v3, $0x2  }
0xf2: {  	v3 =	vand.u32 $0x7, v3;
	v4 =	vand.u32 $0xFFFFFFE0, v63  }
0xf3: {  	v3 =	vor.u32 v3, v4  }
0xf4: {  	v4 =	vperm.xlane v3, v0;
	_ =	sdelay $0x1  }
0xf5: {  	v4 =	vadd.s32 v1, v4;
	_ =	sdelay $0x1  }
0xf6: {  	v3 =	vperm.xlane v3, v2;
	_ =	sdelay $0x1  }
0xf7: {  	s14 =	simm.s32 $0x6100;
	v3 =	vadd.s32 v1, v3  }
0xf8: {  	[tilespmem:s14], [sflag:$0x1] =	stream.indirect_vreg.gather [hbm4b:s1+s3], $0x80, v4, vm0, $0xb8;
	[tilespmem:$0x14100] =	vst v63  }
0xf9: {  	s14 =	simm.s32 $0x6900  }
0xfa: {  	[tilespmem:s14], [sflag:$0x1] =	stream.indirect_vreg.gather [hbm4b:s6+s3], $0x80, v4, vm0, $0xb8;
	[tilespmem:$0x14100] =	vst v63  }
0xfb: {  	s14 =	simm.s32 $0x7100  }
0xfc: {  	[tilespmem:s14], [sflag:$0x1] =	stream.indirect_vreg.gather [hbm4b:s1+s3], $0x80, v3, vm0, $0xb8;
	[tilespmem:$0x14100] =	vst v63  }
.Ltmp5:
0xfd: {  	_ = 	snop;
	(pc) =	sbr.rel .LBB2_4-.Ltmp5, $4  }
0xfe: {  	s14 =	simm.s32 $0x7900  }
0xff: {  	[tilespmem:s14], [sflag:$0x1] =	stream.indirect_vreg.gather [hbm4b:s6+s3], $0x80, v3, vm0, $0xb8;
	[tilespmem:$0x14100] =	vst v63  }
0x100: {  	s14 =	simm.s32 $0x8900  }
0x101: {  	[tilespmem:s31], [sflag:$0x2] =	stream.indirect.gather [hbm4b:s4+s30], $0x80, s3, s30, $0xb8;
	[tilespmem:$0x14100] =	vst v63  }
.LBB2_6:
0x102: {  	_ =	sfence.sel $0x180000  }
0x103: {  	[bflag:$0x0] =	sbarrier.arrive $0xFFFF  }
0x104: {  	_ =	strace $0x90000047  }
0x105: {  	s0 =	stileid.u32;
	[bflag:$0x2] =	sbarrier.arrive $0xFFFF  }
0x106: {  	p0 =	sne.s32 s0, $0x0;
	s0 =	rddreg [dreg:$0x2]  }
0x107: {  	s0 =	sadd.s32 @!p0 $0x100000, s0  }
0x108: {  	[sflag:s0] =	ssyncadd.tile.s32 @!p0 $0x1;
	_ =	shalt  }
.Lfunc_end2:
_tile_overlayer_lowered:
.L_overlay_start_2:
0x109: {  	(tag) =	ssettag $0x2  }
0x10a: {  	s0 =	rddreg [dreg:$0x0];
	s2 =	stileid.u32  }
0x10b: {  	s1 =	rddreg [dreg:$0x1];
	p0 =	sne.s32 s2, $0x0  }
0x10c: {  	s3 =	rddreg [dreg:$0x2];
	[bflag:$0x3] =	sbarrier.arrive $0xFFFF;
	s2 =	simm.s32 @!p0 $0x1C05  }
0x10d: {  	[timem:s3], [sflag:s2] =	dma.local @!p0 [hbm:s0], s1  }
0x10e: {  	s0 =	simm.s32 @!p0 $0x5  }
0x10f: {  	_ =	swait.ge @!p0 [sflag:s0], s1  }
0x110: {  	s1 =	ssub.s32 @!p0 $0x0, s1;
	[sflag:s0] =	ssyncset.done @!p0 $0x0  }
0x111: {  	[sflag:s0] =	ssyncadd.s32 @!p0 s1  }
0x112: {  	[bflag:$0x3] =	sbarrier.arrive $0xFFFF  }
0x113: {  	_ =	shalt  }

</sc_bundles>
